<compile_context>
chip_gen: v7x
topology: tpu7x:2x2x1
jax: 0.10.2.dev20260603
libtpu: 0.0.44.dev20260713+nightly
codegen_flags: <defaults>
</compile_context>

<pallas_src>
import functools

import numpy as np
import jax
import jax.numpy as jnp
from jax import lax
from jax.experimental import pallas as pl
from jax.experimental.pallas import tpu as pltpu
from jax.experimental.pallas import tpu_sc as plsc

IN_CH = 256
OUT_CH = 128
TSCALE = 128
DSCALE = 32
KNN_K = 3
ROI_SIZE = 32
CTX_SIZE = 4
PROP_EXT = 0.5
GROUPS = 32
WIDTH = 4 * GROUPS
NSLOT = ROI_SIZE + CTX_SIZE
NANCH = DSCALE * TSCALE
NTAP = 2 * NSLOT
PAIR = 2 * OUT_CH


def _align_consts():
    anchors = []
    for dur_idx in range(DSCALE):
        for start_idx in range(TSCALE):
            end_idx = start_idx + dur_idx + 1
            if end_idx <= TSCALE:
                cl = float(dur_idx + 1)
                anchors.append([start_idx - cl * PROP_EXT, end_idx + cl * PROP_EXT])
            else:
                anchors.append([0.0, 0.0])
    anchors = np.asarray(anchors, dtype=np.float32)

    idx_list, wgt_list = [], []
    for out_size, slot0 in ((ROI_SIZE, 0), (CTX_SIZE, ROI_SIZE)):
        start, end = anchors[:, 0], anchors[:, 1]
        length = np.maximum(end - start, 1.0)
        bin_size = length / float(out_size)
        i = np.arange(out_size, dtype=np.float32)
        pos = start[:, None] + bin_size[:, None] * (i[None, :] + 0.5)
        valid = (pos >= -1.0) & (pos <= float(TSCALE))
        p = np.clip(pos, 0.0, float(TSCALE - 1))
        lo = np.floor(p).astype(np.int32)
        hi = np.minimum(lo + 1, TSCALE - 1)
        w_hi = (p - lo.astype(np.float32)) * valid
        w_lo = (1.0 - (p - lo.astype(np.float32))) * valid
        slot = slot0 + np.arange(out_size, dtype=np.int32)[None, :]
        idx_list += [lo * NSLOT + slot, hi * NSLOT + slot]
        wgt_list += [w_lo, w_hi]
    idx = np.concatenate(idx_list, axis=1).astype(np.int32)
    wgt = np.concatenate(wgt_list, axis=1).astype(np.float32)
    return idx, wgt


_IDX_NP, _WGT_NP = _align_consts()
_WGTB_NP = np.repeat(_WGT_NP.reshape(-1, 1), 16, axis=1).reshape(-1)


def _block_diag_dense(w):
    blocks = w.reshape(GROUPS, 4, 4).transpose(0, 2, 1)
    dense = jnp.zeros((GROUPS, 4, GROUPS, 4), jnp.float32)
    dense = dense.at[jnp.arange(GROUPS), :, jnp.arange(GROUPS), :].set(blocks)
    return dense.reshape(WIDTH, WIDTH)


def _dot(a, b):
    return jnp.dot(a, b, preferred_element_type=jnp.float32)


def _knn3_onehots(z):
    inner = _dot(z, z.T)
    xx = jnp.sum(z * z, axis=1)
    pd = 2.0 * inner - xx[None, :] - xx[:, None]
    iota = lax.broadcasted_iota(jnp.int32, (TSCALE, TSCALE), 1)
    ohs = []
    for _ in range(KNN_K):
        m = jnp.max(pd, axis=1, keepdims=True)
        idx = jnp.min(jnp.where(pd == m, iota, TSCALE), axis=1, keepdims=True)
        sel = iota == idx
        ohs.append(sel.astype(jnp.float32))
        pd = jnp.where(sel, -jnp.inf, pd)
    return ohs


def _tc_body(xt_ref, w1t_ref, b1_ref, d2m_ref, d2c_ref, d2p_ref, b2_ref,
             w3t_ref, b3_ref, w1at_ref, w1bt_ref, bs1_ref, ds2_ref, bs2_ref,
             ws3t_ref, bs3_ref, wi_ref, wctx_ref, out_ref):
    x = xt_ref[...]

    a1 = jax.nn.relu(_dot(x, w1t_ref[...]) + b1_ref[...])
    zrow = jnp.zeros((1, WIDTH), jnp.float32)
    a1m = jnp.concatenate([zrow, a1[:-1, :]], axis=0)
    a1p = jnp.concatenate([a1[1:, :], zrow], axis=0)
    a2 = jax.nn.relu(_dot(a1m, d2m_ref[...]) + _dot(a1, d2c_ref[...])
                     + _dot(a1p, d2p_ref[...]) + b2_ref[...])
    a3 = _dot(a2, w3t_ref[...]) + b3_ref[...]

    smax = None
    for oh in _knn3_onehots(x):
        fk = _dot(oh, x)
        b1k = jax.nn.relu(_dot(fk, w1at_ref[...]) + _dot(x, w1bt_ref[...])
                          + bs1_ref[...])
        b2k = jax.nn.relu(_dot(b1k, ds2_ref[...]) + bs2_ref[...])
        b3k = _dot(b2k, ws3t_ref[...]) + bs3_ref[...]
        smax = b3k if smax is None else jnp.maximum(smax, b3k)
    xg = jax.nn.relu(a3 + x + smax)

    oh0, oh1, oh2 = _knn3_onehots(xg)
    gf = _dot(oh0 + oh1 + oh2, xg) * (1.0 / 3.0)

    out_ref[:, : ROI_SIZE * OUT_CH] = _dot(xg, wi_ref[...])
    out_ref[:, ROI_SIZE * OUT_CH:] = _dot(gf, wctx_ref[...])


def _tc_table(xt, w1t, b1, d2m, d2c, d2p, b2, w3t, b3, w1at, w1bt, bs1,
              ds2, bs2, ws3t, bs3, wi, wctx):
    return pl.pallas_call(
        _tc_body,
        out_shape=jax.ShapeDtypeStruct((TSCALE, NSLOT * OUT_CH), jnp.float32),
    )(xt, w1t, b1, d2m, d2c, d2p, b2, w3t, b3, w1at, w1bt, bs1,
      ds2, bs2, ws3t, bs3, wi, wctx)


_NC = 2
_NS = 16
_NW = _NC * _NS
_APW = NANCH // _NW
_LANES = 16
_NCH = OUT_CH // _LANES


_NBUF = 4
_WCHUNK = NTAP * _LANES


def _sc_body(table_hbm, idx_hbm, wgtb_hbm, bias_hbm, out_hbm,
             idx_v, wsp_v, rows_v, out_v, bias_v, tab_sh, rsems, wsems):
    wid = lax.axis_index("s") * _NC + lax.axis_index("c")
    base = wid * _APW
    pltpu.sync_copy(idx_hbm.at[pl.ds(base, _APW)], idx_v)
    pltpu.sync_copy(bias_hbm, bias_v)

    @pl.when(lax.axis_index("s") == 0)
    def _():
        pltpu.sync_copy(table_hbm, tab_sh)
    plsc.subcore_barrier()

    def start(a, b):
        pltpu.async_copy(tab_sh.at[idx_v.at[a]], rows_v.at[b], rsems[b])
        pltpu.async_copy(wgtb_hbm.at[pl.ds((base + a) * _WCHUNK, _WCHUNK)],
                         wsp_v.at[b], wsems[b])

    for b in range(_NBUF):
        start(b, b)

    def outer(it, carry):
        for b in range(_NBUF):
            a = it * _NBUF + b
            pltpu.make_async_copy(table_hbm.at[idx_v.at[a]], rows_v.at[b],
                                  rsems[b]).wait()
            pltpu.make_async_copy(wgtb_hbm.at[pl.ds((base + a) * _WCHUNK, _WCHUNK)],
                                  wsp_v.at[b], wsems[b]).wait()
            acc0 = tuple(bias_v[pl.ds(c * _LANES, _LANES)] for c in range(_NCH))

            def accum(j, acc):
                w = wsp_v[b, pl.ds(j * _LANES, _LANES)]
                return tuple(
                    acc[c] + w * rows_v[b, j, pl.ds(c * _LANES, _LANES)]
                    for c in range(_NCH))

            acc = plsc.parallel_loop(0, NTAP, unroll=12, carry=acc0)(accum)
            zero = jnp.zeros((_LANES,), jnp.float32)
            for c in range(_NCH):
                out_v[a, pl.ds(c * _LANES, _LANES)] = jnp.maximum(acc[c], zero)

            nxt = a + _NBUF
            @pl.when(nxt < _APW)
            def _():
                start(nxt, b)
        return carry

    lax.fori_loop(0, _APW // _NBUF, outer, 0)
    pltpu.sync_copy(out_v, out_hbm.at[pl.ds(base, _APW)])


@functools.cache
def _sc_align_fn():
    return pl.kernel(
        _sc_body,
        out_type=jax.ShapeDtypeStruct((NANCH, OUT_CH), jnp.float32),
        mesh=plsc.VectorSubcoreMesh(core_axis_name="c", subcore_axis_name="s",
                                    num_cores=_NC, num_subcores=_NS),
        scratch_types=[
            pltpu.VMEM((_APW, NTAP), jnp.int32),
            pltpu.VMEM((_NBUF, _WCHUNK), jnp.float32),
            pltpu.VMEM((_NBUF, NTAP, OUT_CH), jnp.float32),
            pltpu.VMEM((_APW, OUT_CH), jnp.float32),
            pltpu.VMEM((OUT_CH,), jnp.float32),
            pltpu.VMEM_SHARED((TSCALE * NSLOT, OUT_CH), jnp.float32),
            [pltpu.SemaphoreType.DMA] * _NBUF,
            [pltpu.SemaphoreType.DMA] * _NBUF,
        ],
    )


def kernel(x, t1_w, t1_b, t2_w, t2_b, t3_w, t3_b, s1_w, s1_b,
           s2_w, s2_b, s3_w, s3_b, c_w, c_b):
    xt = x[0].T

    w1t = t1_w[:, :, 0].T
    d2m = _block_diag_dense(t2_w[:, :, 0])
    d2c = _block_diag_dense(t2_w[:, :, 1])
    d2p = _block_diag_dense(t2_w[:, :, 2])
    w3t = t3_w[:, :, 0].T
    w1at = s1_w[:, :IN_CH, 0, 0].T
    w1bt = s1_w[:, IN_CH:, 0, 0].T
    ds2 = _block_diag_dense(s2_w[:, :, 0, 0])
    ws3t = s3_w[:, :, 0, 0].T

    wc = c_w[:, :, 0, 0].reshape(OUT_CH, IN_CH, NSLOT)
    wi = wc[:, :, :ROI_SIZE].transpose(1, 2, 0).reshape(IN_CH, ROI_SIZE * OUT_CH)
    wctx = wc[:, :, ROI_SIZE:].transpose(1, 2, 0).reshape(IN_CH, CTX_SIZE * OUT_CH)

    table = _tc_table(
        xt, w1t, t1_b[None, :], d2m, d2c, d2p, t2_b[None, :], w3t,
        t3_b[None, :], w1at, w1bt, s1_b[None, :], ds2, s2_b[None, :],
        ws3t, s3_b[None, :], wi, wctx,
    ).reshape(TSCALE * NSLOT, OUT_CH)

    out = _sc_align_fn()(table, jnp.asarray(_IDX_NP), jnp.asarray(_WGTB_NP), c_b)
    return out.reshape(DSCALE, TSCALE, OUT_CH).transpose(2, 0, 1)[None]

# --- scband reference (transcript-rebuilt; emitter-appended) ---
"""Pipeline reference for scband-gtadextractor-37649683316907 (READ-ONLY COPY).

The authoritative reference and input builder live on the scoring server;
editing this copy changes nothing except your own understanding.
"""

import jax, jax.numpy as jnp
import numpy as np
from jax import lax

IN_CH = 256
OUT_CH = 128
TSCALE = 128
DSCALE = 32
KNN_K = 3
ROI_SIZE = 32
CTX_SIZE = 4
PROP_EXT = 0.5
GROUPS = 32
WIDTH = 4 * GROUPS


def _make_anchors():
    anchors = []
    for dur_idx in range(DSCALE):
        for start_idx in range(TSCALE):
            end_idx = start_idx + dur_idx + 1
            if end_idx <= TSCALE:
                cl = float(dur_idx + 1)
                anchors.append([start_idx - cl * PROP_EXT, end_idx + cl * PROP_EXT])
            else:
                anchors.append([0.0, 0.0])
    return np.asarray(anchors, dtype=np.float32)


def _conv1d(x, w, b, groups=1, padding=0):
    out = lax.conv_general_dilated(x, w, (1,), [(padding, padding)], dimension_numbers=('NCH', 'OIH', 'NCH'), feature_group_count=groups)
    return out + b[None, :, None]


def _conv2d(x, w, b, groups=1):
    out = lax.conv_general_dilated(x, w, (1, 1), [(0, 0), (0, 0)], dimension_numbers=('NCHW', 'OIHW', 'NCHW'), feature_group_count=groups)
    return out + b[None, :, None, None]


def _knn(x, k):
    inner = -2.0 * jnp.einsum('bci,bcj->bij', x, x)
    xx = jnp.sum(x * x, axis=1)
    pd = -xx[:, None, :] - inner - xx[:, :, None]
    _, idx = lax.top_k(pd, k)
    return idx


def _get_graph_feature(x, k, style):
    B, C, T = x.shape
    idx = _knn(x, k)
    xt = jnp.transpose(x, (0, 2, 1))
    feature = xt[jnp.arange(B)[:, None, None], idx]
    if style == 1:
        xc = jnp.broadcast_to(xt[:, :, None, :], (B, T, k, C))
        feature = jnp.concatenate([feature, xc], axis=3)
    return jnp.transpose(feature, (0, 3, 1, 2))


def _gcnext(x, t1_w, t1_b, t2_w, t2_b, t3_w, t3_b, s1_w, s1_b, s2_w, s2_b, s3_w, s3_b):
    identity = x
    t = jax.nn.relu(_conv1d(x, t1_w, t1_b))
    t = jax.nn.relu(_conv1d(t, t2_w, t2_b, groups=GROUPS, padding=1))
    t = _conv1d(t, t3_w, t3_b)
    xf = _get_graph_feature(x, KNN_K, style=1)
    s = jax.nn.relu(_conv2d(xf, s1_w, s1_b))
    s = jax.nn.relu(_conv2d(s, s2_w, s2_b, groups=GROUPS))
    s = _conv2d(s, s3_w, s3_b)
    s = jnp.max(s, axis=-1)
    return jax.nn.relu(t + identity + s)


def _align1d(x, rois, out_size):
    B, C, T = x.shape
    bidx = rois[:, 0].astype(jnp.int32)
    start = rois[:, 1]
    end = rois[:, 2]
    length = jnp.maximum(end - start, 1.0)
    bin_size = length / float(out_size)
    i = jnp.arange(out_size, dtype=jnp.float32)
    pos = start[:, None] + bin_size[:, None] * (i[None, :] + 0.5)
    valid = (pos >= -1.0) & (pos <= float(T))
    p = jnp.clip(pos, 0.0, float(T - 1))
    lo = jnp.floor(p).astype(jnp.int32)
    hi = jnp.minimum(lo + 1, T - 1)
    w_hi = p - lo.astype(jnp.float32)
    w_lo = 1.0 - w_hi
    xt = jnp.transpose(x, (0, 2, 1))
    v_lo = xt[bidx[:, None], lo]
    v_hi = xt[bidx[:, None], hi]
    val = w_lo[..., None] * v_lo + w_hi[..., None] * v_hi
    val = jnp.where(valid[..., None], val, 0.0)
    return jnp.transpose(val, (0, 2, 1))


def setup_inputs(seed: int = 0):
    key = jax.random.key(seed)
    ks = jax.random.split(key, 9)
    def w(k, shape):
        fan_in = int(np.prod(shape[1:]))
        return (jax.random.normal(k, shape, jnp.float32) / np.sqrt(fan_in)).astype(jnp.float32)
    inp = {}
    inp['x'] = jax.random.normal(ks[0], (1, IN_CH, TSCALE), jnp.float32)
    inp['t1_w'] = w(ks[1], (WIDTH, IN_CH, 1))
    inp['t1_b'] = jnp.zeros((WIDTH,), jnp.float32)
    inp['t2_w'] = w(ks[2], (WIDTH, WIDTH // GROUPS, 3))
    inp['t2_b'] = jnp.zeros((WIDTH,), jnp.float32)
    inp['t3_w'] = w(ks[3], (IN_CH, WIDTH, 1))
    inp['t3_b'] = jnp.zeros((IN_CH,), jnp.float32)
    inp['s1_w'] = w(ks[4], (WIDTH, 2 * IN_CH, 1, 1))
    inp['s1_b'] = jnp.zeros((WIDTH,), jnp.float32)
    inp['s2_w'] = w(ks[5], (WIDTH, WIDTH // GROUPS, 1, 1))
    inp['s2_b'] = jnp.zeros((WIDTH,), jnp.float32)
    inp['s3_w'] = w(ks[6], (IN_CH, WIDTH, 1, 1))
    inp['s3_b'] = jnp.zeros((IN_CH,), jnp.float32)
    inp['c_w'] = w(ks[7], (OUT_CH, IN_CH * (ROI_SIZE + CTX_SIZE), 1, 1))
    inp['c_b'] = jnp.zeros((OUT_CH,), jnp.float32)
    return inp


def reference(x, t1_w, t1_b, t2_w, t2_b, t3_w, t3_b, s1_w, s1_b, s2_w, s2_b, s3_w, s3_b, c_w, c_b):
    bs = x.shape[0]
    xg = _gcnext(x, t1_w, t1_b, t2_w, t2_b, t3_w, t3_b, s1_w, s1_b, s2_w, s2_b, s3_w, s3_b)
    anchors = jnp.asarray(_make_anchors())
    A = anchors.shape[0]
    anchors = jnp.tile(anchors[None], (bs, 1, 1))
    bidx = jnp.tile(jnp.arange(bs, dtype=jnp.float32)[:, None, None], (1, A, 1))
    rois = jnp.concatenate([bidx, anchors], axis=2).reshape(-1, 3)
    feat_inner = _align1d(xg, rois, ROI_SIZE)
    gfeat = jnp.mean(_get_graph_feature(xg, KNN_K, style=2), axis=-1)
    feat_context = _align1d(gfeat, rois, CTX_SIZE)
    feat = jnp.concatenate([feat_inner, feat_context], axis=2)
    feat = feat.reshape(bs, DSCALE, TSCALE, -1)
    feat = jnp.transpose(feat, (0, 3, 1, 2))
    return jax.nn.relu(_conv2d(feat, c_w, c_b))

if __name__ == "__main__":
    import jax
    _d = setup_inputs()
    print(jax.jit(kernel)(*tuple(_d.values())))

</pallas_src>

<mosaic_0001>
#map = affine_map<(d0, d1) -> (0, 0)>
#map1 = affine_map<(d0, d1) -> (0)>
module attributes {stable_mosaic.version = 14 : i64} {
  func.func @_sc_body(%arg0: i32, %arg1: i32, %arg2: memref<4608x128xf32, #tpu.memory_space<hbm>>, %arg3: memref<4096x72xi32, #tpu.memory_space<hbm>>, %arg4: memref<4718592xf32, #tpu.memory_space<hbm>>, %arg5: memref<128xf32, #tpu.memory_space<hbm>>, %arg6: memref<4096x128xf32, #tpu.memory_space<hbm>>, %arg7: memref<128x72xi32, #tpu.memory_space<vmem>>, %arg8: memref<4x1152xf32, #tpu.memory_space<vmem>>, %arg9: memref<4x72x128xf32, #tpu.memory_space<vmem>>, %arg10: memref<128x128xf32, #tpu.memory_space<vmem>>, %arg11: memref<128xf32, #tpu.memory_space<vmem>>, %arg12: memref<4608x128xf32, #tpu.memory_space<vmem_shared>>, %arg13: memref<!tpu.dma_semaphore, #tpu.memory_space<semaphore_mem>>, %arg14: memref<!tpu.dma_semaphore, #tpu.memory_space<semaphore_mem>>, %arg15: memref<!tpu.dma_semaphore, #tpu.memory_space<semaphore_mem>>, %arg16: memref<!tpu.dma_semaphore, #tpu.memory_space<semaphore_mem>>, %arg17: memref<!tpu.dma_semaphore, #tpu.memory_space<semaphore_mem>>, %arg18: memref<!tpu.dma_semaphore, #tpu.memory_space<semaphore_mem>>, %arg19: memref<!tpu.dma_semaphore, #tpu.memory_space<semaphore_mem>>, %arg20: memref<!tpu.dma_semaphore, #tpu.memory_space<semaphore_mem>>) attributes {dimension_semantics = [#tpu.dimension_semantics<core_parallel>, #tpu.dimension_semantics<subcore_parallel>], iteration_bounds = array<i64: 2, 16>, scalar_prefetch = 0 : i64, scratch_operands = 14 : i64, tpu.core_type = #tpu.core_type<sc_vector_subcore>, window_params = [{transform_indices = #map}, {transform_indices = #map}, {transform_indices = #map1}, {transform_indices = #map1}, {transform_indices = #map}]} {
    %mul3A = arith.constant 2 : i32
    %mul3A_0 = arith.muli %arg1, %mul3A : i32
    %add3A = arith.addi %mul3A_0, %arg0 : i32
    %mul3A_1 = arith.constant 128 : i32
    %mul3A_2 = arith.muli %add3A, %mul3A_1 : i32
    "tpu.region"() ({
      %run_scoped3A = tpu.sem_alloc : memref<!tpu.dma_semaphore, #tpu.memory_space<semaphore_mem>>
      %dma_start3A_109 = arith.constant 0 : i32
      %dma_start3A_110 = tpu.memref_slice %arg3[%mul3A_2, %dma_start3A_109] : memref<4096x72xi32, #tpu.memory_space<hbm>> -> memref<128x72xi32, #tpu.memory_space<hbm>>
      %dma_start3A_111 = arith.constant 0 : i32
      %dma_start3A_112 = tpu.memref_slice %arg3[%mul3A_2, %dma_start3A_111] : memref<4096x72xi32, #tpu.memory_space<hbm>> -> memref<128x72xi32, #tpu.memory_space<hbm>>
      tpu.enqueue_dma source(%dma_start3A_112 : memref<128x72xi32, #tpu.memory_space<hbm>>) target(%arg7 : memref<128x72xi32, #tpu.memory_space<vmem>>) target_semaphore(%run_scoped3A : memref<!tpu.dma_semaphore, #tpu.memory_space<semaphore_mem>>)
      %dma_wait3A = arith.constant 0 : i32
      %dma_wait3A_113 = tpu.memref_slice %arg3[%mul3A_2, %dma_wait3A] : memref<4096x72xi32, #tpu.memory_space<hbm>> -> memref<128x72xi32, #tpu.memory_space<hbm>>
      %dma_wait3A_114 = arith.constant 0 : i32
      %dma_wait3A_115 = tpu.memref_slice %arg3[%mul3A_2, %dma_wait3A_114] : memref<4096x72xi32, #tpu.memory_space<hbm>> -> memref<128x72xi32, #tpu.memory_space<hbm>>
      tpu.wait_dma2 semaphore(%run_scoped3A : memref<!tpu.dma_semaphore, #tpu.memory_space<semaphore_mem>>) src(%dma_wait3A_115 : memref<128x72xi32, #tpu.memory_space<hbm>>) dst(%arg7 : memref<128x72xi32, #tpu.memory_space<vmem>>)
      tpu.yield
    }) : () -> ()
    "tpu.region"() ({
      %run_scoped3A = tpu.sem_alloc : memref<!tpu.dma_semaphore, #tpu.memory_space<semaphore_mem>>
      tpu.enqueue_dma source(%arg5 : memref<128xf32, #tpu.memory_space<hbm>>) target(%arg11 : memref<128xf32, #tpu.memory_space<vmem>>) target_semaphore(%run_scoped3A : memref<!tpu.dma_semaphore, #tpu.memory_space<semaphore_mem>>)
      tpu.wait_dma2 semaphore(%run_scoped3A : memref<!tpu.dma_semaphore, #tpu.memory_space<semaphore_mem>>) src(%arg5 : memref<128xf32, #tpu.memory_space<hbm>>) dst(%arg11 : memref<128xf32, #tpu.memory_space<vmem>>)
      tpu.yield
    }) : () -> ()
    %eq3A = arith.constant 0 : i32
    %eq3A_3 = arith.cmpi eq, %arg1, %eq3A : i32
    %convert_element_type3A = arith.extui %eq3A_3 : i1 to i32
    %cond3A = arith.constant 0 : i32
    %cond3A_4 = arith.cmpi ne, %convert_element_type3A, %cond3A : i32
    scf.if %cond3A_4 {
      "tpu.region"() ({
        %run_scoped3A = tpu.sem_alloc : memref<!tpu.dma_semaphore, #tpu.memory_space<semaphore_mem>>
        tpu.enqueue_dma source(%arg2 : memref<4608x128xf32, #tpu.memory_space<hbm>>) target(%arg12 : memref<4608x128xf32, #tpu.memory_space<vmem_shared>>) target_semaphore(%run_scoped3A : memref<!tpu.dma_semaphore, #tpu.memory_space<semaphore_mem>>)
        tpu.wait_dma2 semaphore(%run_scoped3A : memref<!tpu.dma_semaphore, #tpu.memory_space<semaphore_mem>>) src(%arg2 : memref<4608x128xf32, #tpu.memory_space<hbm>>) dst(%arg12 : memref<4608x128xf32, #tpu.memory_space<vmem_shared>>)
        tpu.yield
      }) : () -> ()
    } else {
    }
    %barrier3A = arith.constant 0 : index
    tpu.barrier barrier_id(%barrier3A)
    %dma_start3A = arith.constant 0 : i32
    %dma_start3A_5 = arith.constant 0 : i32
    %dma_start3A_6 = arith.constant 0 : i32
    %dma_start3A_7 = arith.constant 0 : i32
    %dma_start3A_8 = tpu.memref_slice %arg9[%dma_start3A_5, %dma_start3A_6, %dma_start3A_7] : memref<4x72x128xf32, #tpu.memory_space<vmem>> -> memref<1x72x128xf32, #tpu.memory_space<vmem>>
    %dma_start3A_9 = tpu.memref_squeeze %dma_start3A_8 : memref<1x72x128xf32, #tpu.memory_space<vmem>> -> memref<72x128xf32, #tpu.memory_space<vmem>>
    %dma_start3A_10 = arith.constant 0 : i32
    %dma_start3A_11 = tpu.memref_slice %arg7[%dma_start3A, %dma_start3A_10] : memref<128x72xi32, #tpu.memory_space<vmem>> -> memref<1x72xi32, #tpu.memory_space<vmem>>
    %dma_start3A_12 = tpu.memref_squeeze %dma_start3A_11 : memref<1x72xi32, #tpu.memory_space<vmem>> -> memref<72xi32, #tpu.memory_space<vmem>>
    %dma_start3A_13 = arith.constant 0 : i32
    %dma_start3A_14 = arith.constant 0 : i32
    %dma_start3A_15 = tpu.memref_slice %arg12[%dma_start3A_13, %dma_start3A_14] : memref<4608x128xf32, #tpu.memory_space<vmem_shared>> -> memref<4608x128xf32, #tpu.memory_space<vmem_shared>>
    tpu.enqueue_indirect_dma source(%dma_start3A_15 : memref<4608x128xf32, #tpu.memory_space<vmem_shared>>) target(%dma_start3A_9 : memref<72x128xf32, #tpu.memory_space<vmem>>) offsets(%dma_start3A_12 : memref<72xi32, #tpu.memory_space<vmem>>) semaphore(%arg13 : memref<!tpu.dma_semaphore, #tpu.memory_space<semaphore_mem>>)
    %add3A_16 = arith.constant 0 : i32
    %add3A_17 = arith.addi %mul3A_2, %add3A_16 : i32
    %mul3A_18 = arith.constant 1152 : i32
    %mul3A_19 = arith.muli %add3A_17, %mul3A_18 : i32
    %dma_start3A_20 = arith.constant 0 : i32
    %dma_start3A_21 = arith.constant 0 : i32
    %dma_start3A_22 = tpu.memref_slice %arg8[%dma_start3A_20, %dma_start3A_21] : memref<4x1152xf32, #tpu.memory_space<vmem>> -> memref<1x1152xf32, #tpu.memory_space<vmem>>
    %dma_start3A_23 = tpu.memref_squeeze %dma_start3A_22 : memref<1x1152xf32, #tpu.memory_space<vmem>> -> memref<1152xf32, #tpu.memory_space<vmem>>
    %dma_start3A_24 = tpu.memref_slice %arg4[%mul3A_19] : memref<4718592xf32, #tpu.memory_space<hbm>> -> memref<1152xf32, #tpu.memory_space<hbm>>
    %dma_start3A_25 = arith.constant 0 : i32
    %dma_start3A_26 = tpu.memref_slice %arg8[%dma_start3A_20, %dma_start3A_25] : memref<4x1152xf32, #tpu.memory_space<vmem>> -> memref<1x1152xf32, #tpu.memory_space<vmem>>
    %dma_start3A_27 = tpu.memref_squeeze %dma_start3A_26 : memref<1x1152xf32, #tpu.memory_space<vmem>> -> memref<1152xf32, #tpu.memory_space<vmem>>
    %dma_start3A_28 = tpu.memref_slice %arg4[%mul3A_19] : memref<4718592xf32, #tpu.memory_space<hbm>> -> memref<1152xf32, #tpu.memory_space<hbm>>
    tpu.enqueue_dma source(%dma_start3A_28 : memref<1152xf32, #tpu.memory_space<hbm>>) target(%dma_start3A_27 : memref<1152xf32, #tpu.memory_space<vmem>>) target_semaphore(%arg17 : memref<!tpu.dma_semaphore, #tpu.memory_space<semaphore_mem>>)
    %dma_start3A_29 = arith.constant 1 : i32
    %dma_start3A_30 = arith.constant 1 : i32
    %dma_start3A_31 = arith.constant 0 : i32
    %dma_start3A_32 = arith.constant 0 : i32
    %dma_start3A_33 = tpu.memref_slice %arg9[%dma_start3A_30, %dma_start3A_31, %dma_start3A_32] : memref<4x72x128xf32, #tpu.memory_space<vmem>> -> memref<1x72x128xf32, #tpu.memory_space<vmem>>
    %dma_start3A_34 = tpu.memref_squeeze %dma_start3A_33 : memref<1x72x128xf32, #tpu.memory_space<vmem>> -> memref<72x128xf32, #tpu.memory_space<vmem>>
    %dma_start3A_35 = arith.constant 0 : i32
    %dma_start3A_36 = tpu.memref_slice %arg7[%dma_start3A_29, %dma_start3A_35] : memref<128x72xi32, #tpu.memory_space<vmem>> -> memref<1x72xi32, #tpu.memory_space<vmem>>
    %dma_start3A_37 = tpu.memref_squeeze %dma_start3A_36 : memref<1x72xi32, #tpu.memory_space<vmem>> -> memref<72xi32, #tpu.memory_space<vmem>>
    %dma_start3A_38 = arith.constant 0 : i32
    %dma_start3A_39 = arith.constant 0 : i32
    %dma_start3A_40 = tpu.memref_slice %arg12[%dma_start3A_38, %dma_start3A_39] : memref<4608x128xf32, #tpu.memory_space<vmem_shared>> -> memref<4608x128xf32, #tpu.memory_space<vmem_shared>>
    tpu.enqueue_indirect_dma source(%dma_start3A_40 : memref<4608x128xf32, #tpu.memory_space<vmem_shared>>) target(%dma_start3A_34 : memref<72x128xf32, #tpu.memory_space<vmem>>) offsets(%dma_start3A_37 : memref<72xi32, #tpu.memory_space<vmem>>) semaphore(%arg14 : memref<!tpu.dma_semaphore, #tpu.memory_space<semaphore_mem>>)
    %add3A_41 = arith.constant 1 : i32
    %add3A_42 = arith.addi %mul3A_2, %add3A_41 : i32
    %mul3A_43 = arith.constant 1152 : i32
    %mul3A_44 = arith.muli %add3A_42, %mul3A_43 : i32
    %dma_start3A_45 = arith.constant 1 : i32
    %dma_start3A_46 = arith.constant 0 : i32
    %dma_start3A_47 = tpu.memref_slice %arg8[%dma_start3A_45, %dma_start3A_46] : memref<4x1152xf32, #tpu.memory_space<vmem>> -> memref<1x1152xf32, #tpu.memory_space<vmem>>
    %dma_start3A_48 = tpu.memref_squeeze %dma_start3A_47 : memref<1x1152xf32, #tpu.memory_space<vmem>> -> memref<1152xf32, #tpu.memory_space<vmem>>
    %dma_start3A_49 = tpu.memref_slice %arg4[%mul3A_44] : memref<4718592xf32, #tpu.memory_space<hbm>> -> memref<1152xf32, #tpu.memory_space<hbm>>
    %dma_start3A_50 = arith.constant 0 : i32
    %dma_start3A_51 = tpu.memref_slice %arg8[%dma_start3A_45, %dma_start3A_50] : memref<4x1152xf32, #tpu.memory_space<vmem>> -> memref<1x1152xf32, #tpu.memory_space<vmem>>
    %dma_start3A_52 = tpu.memref_squeeze %dma_start3A_51 : memref<1x1152xf32, #tpu.memory_space<vmem>> -> memref<1152xf32, #tpu.memory_space<vmem>>
    %dma_start3A_53 = tpu.memref_slice %arg4[%mul3A_44] : memref<4718592xf32, #tpu.memory_space<hbm>> -> memref<1152xf32, #tpu.memory_space<hbm>>
    tpu.enqueue_dma source(%dma_start3A_53 : memref<1152xf32, #tpu.memory_space<hbm>>) target(%dma_start3A_52 : memref<1152xf32, #tpu.memory_space<vmem>>) target_semaphore(%arg18 : memref<!tpu.dma_semaphore, #tpu.memory_space<semaphore_mem>>)
    %dma_start3A_54 = arith.constant 2 : i32
    %dma_start3A_55 = arith.constant 2 : i32
    %dma_start3A_56 = arith.constant 0 : i32
    %dma_start3A_57 = arith.constant 0 : i32
    %dma_start3A_58 = tpu.memref_slice %arg9[%dma_start3A_55, %dma_start3A_56, %dma_start3A_57] : memref<4x72x128xf32, #tpu.memory_space<vmem>> -> memref<1x72x128xf32, #tpu.memory_space<vmem>>
    %dma_start3A_59 = tpu.memref_squeeze %dma_start3A_58 : memref<1x72x128xf32, #tpu.memory_space<vmem>> -> memref<72x128xf32, #tpu.memory_space<vmem>>
    %dma_start3A_60 = arith.constant 0 : i32
    %dma_start3A_61 = tpu.memref_slice %arg7[%dma_start3A_54, %dma_start3A_60] : memref<128x72xi32, #tpu.memory_space<vmem>> -> memref<1x72xi32, #tpu.memory_space<vmem>>
    %dma_start3A_62 = tpu.memref_squeeze %dma_start3A_61 : memref<1x72xi32, #tpu.memory_space<vmem>> -> memref<72xi32, #tpu.memory_space<vmem>>
    %dma_start3A_63 = arith.constant 0 : i32
    %dma_start3A_64 = arith.constant 0 : i32
    %dma_start3A_65 = tpu.memref_slice %arg12[%dma_start3A_63, %dma_start3A_64] : memref<4608x128xf32, #tpu.memory_space<vmem_shared>> -> memref<4608x128xf32, #tpu.memory_space<vmem_shared>>
    tpu.enqueue_indirect_dma source(%dma_start3A_65 : memref<4608x128xf32, #tpu.memory_space<vmem_shared>>) target(%dma_start3A_59 : memref<72x128xf32, #tpu.memory_space<vmem>>) offsets(%dma_start3A_62 : memref<72xi32, #tpu.memory_space<vmem>>) semaphore(%arg15 : memref<!tpu.dma_semaphore, #tpu.memory_space<semaphore_mem>>)
    %add3A_66 = arith.constant 2 : i32
    %add3A_67 = arith.addi %mul3A_2, %add3A_66 : i32
    %mul3A_68 = arith.constant 1152 : i32
    %mul3A_69 = arith.muli %add3A_67, %mul3A_68 : i32
    %dma_start3A_70 = arith.constant 2 : i32
    %dma_start3A_71 = arith.constant 0 : i32
    %dma_start3A_72 = tpu.memref_slice %arg8[%dma_start3A_70, %dma_start3A_71] : memref<4x1152xf32, #tpu.memory_space<vmem>> -> memref<1x1152xf32, #tpu.memory_space<vmem>>
    %dma_start3A_73 = tpu.memref_squeeze %dma_start3A_72 : memref<1x1152xf32, #tpu.memory_space<vmem>> -> memref<1152xf32, #tpu.memory_space<vmem>>
    %dma_start3A_74 = tpu.memref_slice %arg4[%mul3A_69] : memref<4718592xf32, #tpu.memory_space<hbm>> -> memref<1152xf32, #tpu.memory_space<hbm>>
    %dma_start3A_75 = arith.constant 0 : i32
    %dma_start3A_76 = tpu.memref_slice %arg8[%dma_start3A_70, %dma_start3A_75] : memref<4x1152xf32, #tpu.memory_space<vmem>> -> memref<1x1152xf32, #tpu.memory_space<vmem>>
    %dma_start3A_77 = tpu.memref_squeeze %dma_start3A_76 : memref<1x1152xf32, #tpu.memory_space<vmem>> -> memref<1152xf32, #tpu.memory_space<vmem>>
    %dma_start3A_78 = tpu.memref_slice %arg4[%mul3A_69] : memref<4718592xf32, #tpu.memory_space<hbm>> -> memref<1152xf32, #tpu.memory_space<hbm>>
    tpu.enqueue_dma source(%dma_start3A_78 : memref<1152xf32, #tpu.memory_space<hbm>>) target(%dma_start3A_77 : memref<1152xf32, #tpu.memory_space<vmem>>) target_semaphore(%arg19 : memref<!tpu.dma_semaphore, #tpu.memory_space<semaphore_mem>>)
    %dma_start3A_79 = arith.constant 3 : i32
    %dma_start3A_80 = arith.constant 3 : i32
    %dma_start3A_81 = arith.constant 0 : i32
    %dma_start3A_82 = arith.constant 0 : i32
    %dma_start3A_83 = tpu.memref_slice %arg9[%dma_start3A_80, %dma_start3A_81, %dma_start3A_82] : memref<4x72x128xf32, #tpu.memory_space<vmem>> -> memref<1x72x128xf32, #tpu.memory_space<vmem>>
    %dma_start3A_84 = tpu.memref_squeeze %dma_start3A_83 : memref<1x72x128xf32, #tpu.memory_space<vmem>> -> memref<72x128xf32, #tpu.memory_space<vmem>>
    %dma_start3A_85 = arith.constant 0 : i32
    %dma_start3A_86 = tpu.memref_slice %arg7[%dma_start3A_79, %dma_start3A_85] : memref<128x72xi32, #tpu.memory_space<vmem>> -> memref<1x72xi32, #tpu.memory_space<vmem>>
    %dma_start3A_87 = tpu.memref_squeeze %dma_start3A_86 : memref<1x72xi32, #tpu.memory_space<vmem>> -> memref<72xi32, #tpu.memory_space<vmem>>
    %dma_start3A_88 = arith.constant 0 : i32
    %dma_start3A_89 = arith.constant 0 : i32
    %dma_start3A_90 = tpu.memref_slice %arg12[%dma_start3A_88, %dma_start3A_89] : memref<4608x128xf32, #tpu.memory_space<vmem_shared>> -> memref<4608x128xf32, #tpu.memory_space<vmem_shared>>
    tpu.enqueue_indirect_dma source(%dma_start3A_90 : memref<4608x128xf32, #tpu.memory_space<vmem_shared>>) target(%dma_start3A_84 : memref<72x128xf32, #tpu.memory_space<vmem>>) offsets(%dma_start3A_87 : memref<72xi32, #tpu.memory_space<vmem>>) semaphore(%arg16 : memref<!tpu.dma_semaphore, #tpu.memory_space<semaphore_mem>>)
    %add3A_91 = arith.constant 3 : i32
    %add3A_92 = arith.addi %mul3A_2, %add3A_91 : i32
    %mul3A_93 = arith.constant 1152 : i32
    %mul3A_94 = arith.muli %add3A_92, %mul3A_93 : i32
    %dma_start3A_95 = arith.constant 3 : i32
    %dma_start3A_96 = arith.constant 0 : i32
    %dma_start3A_97 = tpu.memref_slice %arg8[%dma_start3A_95, %dma_start3A_96] : memref<4x1152xf32, #tpu.memory_space<vmem>> -> memref<1x1152xf32, #tpu.memory_space<vmem>>
    %dma_start3A_98 = tpu.memref_squeeze %dma_start3A_97 : memref<1x1152xf32, #tpu.memory_space<vmem>> -> memref<1152xf32, #tpu.memory_space<vmem>>
    %dma_start3A_99 = tpu.memref_slice %arg4[%mul3A_94] : memref<4718592xf32, #tpu.memory_space<hbm>> -> memref<1152xf32, #tpu.memory_space<hbm>>
    %dma_start3A_100 = arith.constant 0 : i32
    %dma_start3A_101 = tpu.memref_slice %arg8[%dma_start3A_95, %dma_start3A_100] : memref<4x1152xf32, #tpu.memory_space<vmem>> -> memref<1x1152xf32, #tpu.memory_space<vmem>>
    %dma_start3A_102 = tpu.memref_squeeze %dma_start3A_101 : memref<1x1152xf32, #tpu.memory_space<vmem>> -> memref<1152xf32, #tpu.memory_space<vmem>>
    %dma_start3A_103 = tpu.memref_slice %arg4[%mul3A_94] : memref<4718592xf32, #tpu.memory_space<hbm>> -> memref<1152xf32, #tpu.memory_space<hbm>>
    tpu.enqueue_dma source(%dma_start3A_103 : memref<1152xf32, #tpu.memory_space<hbm>>) target(%dma_start3A_102 : memref<1152xf32, #tpu.memory_space<vmem>>) target_semaphore(%arg20 : memref<!tpu.dma_semaphore, #tpu.memory_space<semaphore_mem>>)
    %scan3A = arith.constant 0 : i32
    %scan3A_104 = arith.constant 0 : i32
    %scan3A_105 = arith.constant 32 : i32
    %scan3A_106 = arith.addi %scan3A_104, %scan3A_105 : i32
    %scan3A_107 = arith.constant 1 : i32
    scf.for %scan3A_109 = %scan3A_104 to %scan3A_106 step %scan3A_107  : i32 {
      %mul3A_110 = arith.constant 4 : i32
      %mul3A_111 = arith.muli %scan3A_109, %mul3A_110 : i32
      %add3A_112 = arith.constant 0 : i32
      %add3A_113 = arith.addi %mul3A_111, %add3A_112 : i32
      %dma_wait3A = arith.constant 0 : i32
      %dma_wait3A_114 = arith.constant 0 : i32
      %dma_wait3A_115 = arith.constant 0 : i32
      %dma_wait3A_116 = tpu.memref_slice %arg9[%dma_wait3A, %dma_wait3A_114, %dma_wait3A_115] : memref<4x72x128xf32, #tpu.memory_space<vmem>> -> memref<1x72x128xf32, #tpu.memory_space<vmem>>
      %dma_wait3A_117 = tpu.memref_squeeze %dma_wait3A_116 : memref<1x72x128xf32, #tpu.memory_space<vmem>> -> memref<72x128xf32, #tpu.memory_space<vmem>>
      %dma_wait3A_118 = arith.constant 0 : i32
      %dma_wait3A_119 = tpu.memref_slice %arg7[%add3A_113, %dma_wait3A_118] : memref<128x72xi32, #tpu.memory_space<vmem>> -> memref<1x72xi32, #tpu.memory_space<vmem>>
      %dma_wait3A_120 = tpu.memref_squeeze %dma_wait3A_119 : memref<1x72xi32, #tpu.memory_space<vmem>> -> memref<72xi32, #tpu.memory_space<vmem>>
      %dma_wait3A_121 = arith.constant 0 : i32
      %dma_wait3A_122 = arith.constant 0 : i32
      %dma_wait3A_123 = tpu.memref_slice %arg2[%dma_wait3A_121, %dma_wait3A_122] : memref<4608x128xf32, #tpu.memory_space<hbm>> -> memref<4608x128xf32, #tpu.memory_space<hbm>>
      tpu.wait_indirect_dma semaphore(%arg13 : memref<!tpu.dma_semaphore, #tpu.memory_space<semaphore_mem>>) src(%dma_wait3A_123 : memref<4608x128xf32, #tpu.memory_space<hbm>>) dst(%dma_wait3A_117 : memref<72x128xf32, #tpu.memory_space<vmem>>)
      %add3A_124 = arith.addi %mul3A_2, %add3A_113 : i32
      %mul3A_125 = arith.constant 1152 : i32
      %mul3A_126 = arith.muli %add3A_124, %mul3A_125 : i32
      %dma_wait3A_127 = arith.constant 0 : i32
      %dma_wait3A_128 = arith.constant 0 : i32
      %dma_wait3A_129 = tpu.memref_slice %arg8[%dma_wait3A_127, %dma_wait3A_128] : memref<4x1152xf32, #tpu.memory_space<vmem>> -> memref<1x1152xf32, #tpu.memory_space<vmem>>
      %dma_wait3A_130 = tpu.memref_squeeze %dma_wait3A_129 : memref<1x1152xf32, #tpu.memory_space<vmem>> -> memref<1152xf32, #tpu.memory_space<vmem>>
      %dma_wait3A_131 = tpu.memref_slice %arg4[%mul3A_126] : memref<4718592xf32, #tpu.memory_space<hbm>> -> memref<1152xf32, #tpu.memory_space<hbm>>
      %dma_wait3A_132 = arith.constant 0 : i32
      %dma_wait3A_133 = tpu.memref_slice %arg8[%dma_wait3A_127, %dma_wait3A_132] : memref<4x1152xf32, #tpu.memory_space<vmem>> -> memref<1x1152xf32, #tpu.memory_space<vmem>>
      %dma_wait3A_134 = tpu.memref_squeeze %dma_wait3A_133 : memref<1x1152xf32, #tpu.memory_space<vmem>> -> memref<1152xf32, #tpu.memory_space<vmem>>
      %dma_wait3A_135 = tpu.memref_slice %arg4[%mul3A_126] : memref<4718592xf32, #tpu.memory_space<hbm>> -> memref<1152xf32, #tpu.memory_space<hbm>>
      tpu.wait_dma2 semaphore(%arg17 : memref<!tpu.dma_semaphore, #tpu.memory_space<semaphore_mem>>) src(%dma_wait3A_135 : memref<1152xf32, #tpu.memory_space<hbm>>) dst(%dma_wait3A_134 : memref<1152xf32, #tpu.memory_space<vmem>>)
      %get3A = arith.constant 0 : index
      %get3A_136 = tpu.vector_load %arg11[%get3A] {strides = array<i32>} : memref<128xf32, #tpu.memory_space<vmem>>, vector<16xf32>,
      %get3A_137 = vector.shape_cast %get3A_136 : vector<16xf32> to vector<16xf32>
      %get3A_138 = arith.constant 16 : index
      %get3A_139 = tpu.vector_load %arg11[%get3A_138] {strides = array<i32>} : memref<128xf32, #tpu.memory_space<vmem>>, vector<16xf32>,
      %get3A_140 = vector.shape_cast %get3A_139 : vector<16xf32> to vector<16xf32>
      %get3A_141 = arith.constant 32 : index
      %get3A_142 = tpu.vector_load %arg11[%get3A_141] {strides = array<i32>} : memref<128xf32, #tpu.memory_space<vmem>>, vector<16xf32>,
      %get3A_143 = vector.shape_cast %get3A_142 : vector<16xf32> to vector<16xf32>
      %get3A_144 = arith.constant 48 : index
      %get3A_145 = tpu.vector_load %arg11[%get3A_144] {strides = array<i32>} : memref<128xf32, #tpu.memory_space<vmem>>, vector<16xf32>,
      %get3A_146 = vector.shape_cast %get3A_145 : vector<16xf32> to vector<16xf32>
      %get3A_147 = arith.constant 64 : index
      %get3A_148 = tpu.vector_load %arg11[%get3A_147] {strides = array<i32>} : memref<128xf32, #tpu.memory_space<vmem>>, vector<16xf32>,
      %get3A_149 = vector.shape_cast %get3A_148 : vector<16xf32> to vector<16xf32>
      %get3A_150 = arith.constant 80 : index
      %get3A_151 = tpu.vector_load %arg11[%get3A_150] {strides = array<i32>} : memref<128xf32, #tpu.memory_space<vmem>>, vector<16xf32>,
      %get3A_152 = vector.shape_cast %get3A_151 : vector<16xf32> to vector<16xf32>
      %get3A_153 = arith.constant 96 : index
      %get3A_154 = tpu.vector_load %arg11[%get3A_153] {strides = array<i32>} : memref<128xf32, #tpu.memory_space<vmem>>, vector<16xf32>,
      %get3A_155 = vector.shape_cast %get3A_154 : vector<16xf32> to vector<16xf32>
      %get3A_156 = arith.constant 112 : index
      %get3A_157 = tpu.vector_load %arg11[%get3A_156] {strides = array<i32>} : memref<128xf32, #tpu.memory_space<vmem>>, vector<16xf32>,
      %get3A_158 = vector.shape_cast %get3A_157 : vector<16xf32> to vector<16xf32>
      %parallel_loop3A = arith.constant 0 : i32
      %parallel_loop3A_159 = arith.constant 72 : i32
      %parallel_loop3A_160 = arith.constant 1 : i32
      %parallel_loop3A_161:8 = scf.for %parallel_loop3A_551 = %parallel_loop3A to %parallel_loop3A_159 step %parallel_loop3A_160 iter_args(%parallel_loop3A_552 = %get3A_137, %parallel_loop3A_553 = %get3A_140, %parallel_loop3A_554 = %get3A_143, %parallel_loop3A_555 = %get3A_146, %parallel_loop3A_556 = %get3A_149, %parallel_loop3A_557 = %get3A_152, %parallel_loop3A_558 = %get3A_155, %parallel_loop3A_559 = %get3A_158) -> (vector<16xf32>, vector<16xf32>, vector<16xf32>, vector<16xf32>, vector<16xf32>, vector<16xf32>, vector<16xf32>, vector<16xf32>)  : i32 {
        %parallel_loop3A_560 = arith.constant 16 : i32
        %parallel_loop3A_561 = arith.muli %parallel_loop3A_551, %parallel_loop3A_560 : i32
        %parallel_loop3A_562 = arith.constant 0 : i32
        %parallel_loop3A_563 = arith.index_cast %parallel_loop3A_562 : i32 to index
        %parallel_loop3A_564 = arith.index_cast %parallel_loop3A_561 : i32 to index
        %parallel_loop3A_565 = tpu.vector_load %arg8[%parallel_loop3A_563, %parallel_loop3A_564] {strides = array<i32>} : memref<4x1152xf32, #tpu.memory_space<vmem>>, vector<1x16xf32>,
        %parallel_loop3A_566 = vector.shape_cast %parallel_loop3A_565 : vector<1x16xf32> to vector<16xf32>
        %parallel_loop3A_567 = arith.constant 0 : i32
        %parallel_loop3A_568 = arith.index_cast %parallel_loop3A_567 : i32 to index
        %parallel_loop3A_569 = arith.index_cast %parallel_loop3A_551 : i32 to index
        %parallel_loop3A_570 = arith.constant 0 : index
        %parallel_loop3A_571 = tpu.vector_load %arg9[%parallel_loop3A_568, %parallel_loop3A_569, %parallel_loop3A_570] {strides = array<i32>} : memref<4x72x128xf32, #tpu.memory_space<vmem>>, vector<1x1x16xf32>,
        %parallel_loop3A_572 = vector.shape_cast %parallel_loop3A_571 : vector<1x1x16xf32> to vector<16xf32>
        %parallel_loop3A_573 = arith.mulf %parallel_loop3A_566, %parallel_loop3A_572 : vector<16xf32>
        %parallel_loop3A_574 = arith.addf %parallel_loop3A_552, %parallel_loop3A_573 : vector<16xf32>
        %parallel_loop3A_575 = arith.constant 0 : i32
        %parallel_loop3A_576 = arith.index_cast %parallel_loop3A_575 : i32 to index
        %parallel_loop3A_577 = arith.index_cast %parallel_loop3A_551 : i32 to index
        %parallel_loop3A_578 = arith.constant 16 : index
        %parallel_loop3A_579 = tpu.vector_load %arg9[%parallel_loop3A_576, %parallel_loop3A_577, %parallel_loop3A_578] {strides = array<i32>} : memref<4x72x128xf32, #tpu.memory_space<vmem>>, vector<1x1x16xf32>,
        %parallel_loop3A_580 = vector.shape_cast %parallel_loop3A_579 : vector<1x1x16xf32> to vector<16xf32>
        %parallel_loop3A_581 = arith.mulf %parallel_loop3A_566, %parallel_loop3A_580 : vector<16xf32>
        %parallel_loop3A_582 = arith.addf %parallel_loop3A_553, %parallel_loop3A_581 : vector<16xf32>
        %parallel_loop3A_583 = arith.constant 0 : i32
        %parallel_loop3A_584 = arith.index_cast %parallel_loop3A_583 : i32 to index
        %parallel_loop3A_585 = arith.index_cast %parallel_loop3A_551 : i32 to index
        %parallel_loop3A_586 = arith.constant 32 : index
        %parallel_loop3A_587 = tpu.vector_load %arg9[%parallel_loop3A_584, %parallel_loop3A_585, %parallel_loop3A_586] {strides = array<i32>} : memref<4x72x128xf32, #tpu.memory_space<vmem>>, vector<1x1x16xf32>,
        %parallel_loop3A_588 = vector.shape_cast %parallel_loop3A_587 : vector<1x1x16xf32> to vector<16xf32>
        %parallel_loop3A_589 = arith.mulf %parallel_loop3A_566, %parallel_loop3A_588 : vector<16xf32>
        %parallel_loop3A_590 = arith.addf %parallel_loop3A_554, %parallel_loop3A_589 : vector<16xf32>
        %parallel_loop3A_591 = arith.constant 0 : i32
        %parallel_loop3A_592 = arith.index_cast %parallel_loop3A_591 : i32 to index
        %parallel_loop3A_593 = arith.index_cast %parallel_loop3A_551 : i32 to index
        %parallel_loop3A_594 = arith.constant 48 : index
        %parallel_loop3A_595 = tpu.vector_load %arg9[%parallel_loop3A_592, %parallel_loop3A_593, %parallel_loop3A_594] {strides = array<i32>} : memref<4x72x128xf32, #tpu.memory_space<vmem>>, vector<1x1x16xf32>,
        %parallel_loop3A_596 = vector.shape_cast %parallel_loop3A_595 : vector<1x1x16xf32> to vector<16xf32>
        %parallel_loop3A_597 = arith.mulf %parallel_loop3A_566, %parallel_loop3A_596 : vector<16xf32>
        %parallel_loop3A_598 = arith.addf %parallel_loop3A_555, %parallel_loop3A_597 : vector<16xf32>
        %parallel_loop3A_599 = arith.constant 0 : i32
        %parallel_loop3A_600 = arith.index_cast %parallel_loop3A_599 : i32 to index
        %parallel_loop3A_601 = arith.index_cast %parallel_loop3A_551 : i32 to index
        %parallel_loop3A_602 = arith.constant 64 : index
        %parallel_loop3A_603 = tpu.vector_load %arg9[%parallel_loop3A_600, %parallel_loop3A_601, %parallel_loop3A_602] {strides = array<i32>} : memref<4x72x128xf32, #tpu.memory_space<vmem>>, vector<1x1x16xf32>,
        %parallel_loop3A_604 = vector.shape_cast %parallel_loop3A_603 : vector<1x1x16xf32> to vector<16xf32>
        %parallel_loop3A_605 = arith.mulf %parallel_loop3A_566, %parallel_loop3A_604 : vector<16xf32>
        %parallel_loop3A_606 = arith.addf %parallel_loop3A_556, %parallel_loop3A_605 : vector<16xf32>
        %parallel_loop3A_607 = arith.constant 0 : i32
        %parallel_loop3A_608 = arith.index_cast %parallel_loop3A_607 : i32 to index
        %parallel_loop3A_609 = arith.index_cast %parallel_loop3A_551 : i32 to index
        %parallel_loop3A_610 = arith.constant 80 : index
        %parallel_loop3A_611 = tpu.vector_load %arg9[%parallel_loop3A_608, %parallel_loop3A_609, %parallel_loop3A_610] {strides = array<i32>} : memref<4x72x128xf32, #tpu.memory_space<vmem>>, vector<1x1x16xf32>,
        %parallel_loop3A_612 = vector.shape_cast %parallel_loop3A_611 : vector<1x1x16xf32> to vector<16xf32>
        %parallel_loop3A_613 = arith.mulf %parallel_loop3A_566, %parallel_loop3A_612 : vector<16xf32>
        %parallel_loop3A_614 = arith.addf %parallel_loop3A_557, %parallel_loop3A_613 : vector<16xf32>
        %parallel_loop3A_615 = arith.constant 0 : i32
        %parallel_loop3A_616 = arith.index_cast %parallel_loop3A_615 : i32 to index
        %parallel_loop3A_617 = arith.index_cast %parallel_loop3A_551 : i32 to index
        %parallel_loop3A_618 = arith.constant 96 : index
        %parallel_loop3A_619 = tpu.vector_load %arg9[%parallel_loop3A_616, %parallel_loop3A_617, %parallel_loop3A_618] {strides = array<i32>} : memref<4x72x128xf32, #tpu.memory_space<vmem>>, vector<1x1x16xf32>,
        %parallel_loop3A_620 = vector.shape_cast %parallel_loop3A_619 : vector<1x1x16xf32> to vector<16xf32>
        %parallel_loop3A_621 = arith.mulf %parallel_loop3A_566, %parallel_loop3A_620 : vector<16xf32>
        %parallel_loop3A_622 = arith.addf %parallel_loop3A_558, %parallel_loop3A_621 : vector<16xf32>
        %parallel_loop3A_623 = arith.constant 0 : i32
        %parallel_loop3A_624 = arith.index_cast %parallel_loop3A_623 : i32 to index
        %parallel_loop3A_625 = arith.index_cast %parallel_loop3A_551 : i32 to index
        %parallel_loop3A_626 = arith.constant 112 : index
        %parallel_loop3A_627 = tpu.vector_load %arg9[%parallel_loop3A_624, %parallel_loop3A_625, %parallel_loop3A_626] {strides = array<i32>} : memref<4x72x128xf32, #tpu.memory_space<vmem>>, vector<1x1x16xf32>,
        %parallel_loop3A_628 = vector.shape_cast %parallel_loop3A_627 : vector<1x1x16xf32> to vector<16xf32>
        %parallel_loop3A_629 = arith.mulf %parallel_loop3A_566, %parallel_loop3A_628 : vector<16xf32>
        %parallel_loop3A_630 = arith.addf %parallel_loop3A_559, %parallel_loop3A_629 : vector<16xf32>
        scf.yield %parallel_loop3A_574, %parallel_loop3A_582, %parallel_loop3A_590, %parallel_loop3A_598, %parallel_loop3A_606, %parallel_loop3A_614, %parallel_loop3A_622, %parallel_loop3A_630 : vector<16xf32>, vector<16xf32>, vector<16xf32>, vector<16xf32>, vector<16xf32>, vector<16xf32>, vector<16xf32>, vector<16xf32>
      } {sc.loop_unroll_factor = 12 : i64, sc.parallel_access}
      %broadcast_in_dim3A = arith.constant 0.000000e+00 : f32
      %broadcast_in_dim3A_162 = vector.broadcast %broadcast_in_dim3A : f32 to vector<16xf32>
      %max3A = arith.maximumf %parallel_loop3A_161#0, %broadcast_in_dim3A_162 : vector<16xf32>
      %swap3A = arith.index_cast %add3A_113 : i32 to index
      %swap3A_163 = arith.constant 0 : index
      %swap3A_164 = tpu.vector_load %arg10[%swap3A, %swap3A_163] {strides = array<i32>} : memref<128x128xf32, #tpu.memory_space<vmem>>, vector<1x16xf32>,
      %swap3A_165 = vector.shape_cast %swap3A_164 : vector<1x16xf32> to vector<16xf32>
      %swap3A_166 = vector.shape_cast %max3A : vector<16xf32> to vector<1x16xf32>
      tpu.vector_store %arg10[%swap3A, %swap3A_163], %swap3A_166 {strides = array<i32>} : memref<128x128xf32, #tpu.memory_space<vmem>>, vector<1x16xf32>,
      %max3A_167 = arith.maximumf %parallel_loop3A_161#1, %broadcast_in_dim3A_162 : vector<16xf32>
      %swap3A_168 = arith.index_cast %add3A_113 : i32 to index
      %swap3A_169 = arith.constant 16 : index
      %swap3A_170 = tpu.vector_load %arg10[%swap3A_168, %swap3A_169] {strides = array<i32>} : memref<128x128xf32, #tpu.memory_space<vmem>>, vector<1x16xf32>,
      %swap3A_171 = vector.shape_cast %swap3A_170 : vector<1x16xf32> to vector<16xf32>
      %swap3A_172 = vector.shape_cast %max3A_167 : vector<16xf32> to vector<1x16xf32>
      tpu.vector_store %arg10[%swap3A_168, %swap3A_169], %swap3A_172 {strides = array<i32>} : memref<128x128xf32, #tpu.memory_space<vmem>>, vector<1x16xf32>,
      %max3A_173 = arith.maximumf %parallel_loop3A_161#2, %broadcast_in_dim3A_162 : vector<16xf32>
      %swap3A_174 = arith.index_cast %add3A_113 : i32 to index
      %swap3A_175 = arith.constant 32 : index
      %swap3A_176 = tpu.vector_load %arg10[%swap3A_174, %swap3A_175] {strides = array<i32>} : memref<128x128xf32, #tpu.memory_space<vmem>>, vector<1x16xf32>,
      %swap3A_177 = vector.shape_cast %swap3A_176 : vector<1x16xf32> to vector<16xf32>
      %swap3A_178 = vector.shape_cast %max3A_173 : vector<16xf32> to vector<1x16xf32>
      tpu.vector_store %arg10[%swap3A_174, %swap3A_175], %swap3A_178 {strides = array<i32>} : memref<128x128xf32, #tpu.memory_space<vmem>>, vector<1x16xf32>,
      %max3A_179 = arith.maximumf %parallel_loop3A_161#3, %broadcast_in_dim3A_162 : vector<16xf32>
      %swap3A_180 = arith.index_cast %add3A_113 : i32 to index
      %swap3A_181 = arith.constant 48 : index
      %swap3A_182 = tpu.vector_load %arg10[%swap3A_180, %swap3A_181] {strides = array<i32>} : memref<128x128xf32, #tpu.memory_space<vmem>>, vector<1x16xf32>,
      %swap3A_183 = vector.shape_cast %swap3A_182 : vector<1x16xf32> to vector<16xf32>
      %swap3A_184 = vector.shape_cast %max3A_179 : vector<16xf32> to vector<1x16xf32>
      tpu.vector_store %arg10[%swap3A_180, %swap3A_181], %swap3A_184 {strides = array<i32>} : memref<128x128xf32, #tpu.memory_space<vmem>>, vector<1x16xf32>,
      %max3A_185 = arith.maximumf %parallel_loop3A_161#4, %broadcast_in_dim3A_162 : vector<16xf32>
      %swap3A_186 = arith.index_cast %add3A_113 : i32 to index
      %swap3A_187 = arith.constant 64 : index
      %swap3A_188 = tpu.vector_load %arg10[%swap3A_186, %swap3A_187] {strides = array<i32>} : memref<128x128xf32, #tpu.memory_space<vmem>>, vector<1x16xf32>,
      %swap3A_189 = vector.shape_cast %swap3A_188 : vector<1x16xf32> to vector<16xf32>
      %swap3A_190 = vector.shape_cast %max3A_185 : vector<16xf32> to vector<1x16xf32>
      tpu.vector_store %arg10[%swap3A_186, %swap3A_187], %swap3A_190 {strides = array<i32>} : memref<128x128xf32, #tpu.memory_space<vmem>>, vector<1x16xf32>,
      %max3A_191 = arith.maximumf %parallel_loop3A_161#5, %broadcast_in_dim3A_162 : vector<16xf32>
      %swap3A_192 = arith.index_cast %add3A_113 : i32 to index
      %swap3A_193 = arith.constant 80 : index
      %swap3A_194 = tpu.vector_load %arg10[%swap3A_192, %swap3A_193] {strides = array<i32>} : memref<128x128xf32, #tpu.memory_space<vmem>>, vector<1x16xf32>,
      %swap3A_195 = vector.shape_cast %swap3A_194 : vector<1x16xf32> to vector<16xf32>
      %swap3A_196 = vector.shape_cast %max3A_191 : vector<16xf32> to vector<1x16xf32>
      tpu.vector_store %arg10[%swap3A_192, %swap3A_193], %swap3A_196 {strides = array<i32>} : memref<128x128xf32, #tpu.memory_space<vmem>>, vector<1x16xf32>,
      %max3A_197 = arith.maximumf %parallel_loop3A_161#6, %broadcast_in_dim3A_162 : vector<16xf32>
      %swap3A_198 = arith.index_cast %add3A_113 : i32 to index
      %swap3A_199 = arith.constant 96 : index
      %swap3A_200 = tpu.vector_load %arg10[%swap3A_198, %swap3A_199] {strides = array<i32>} : memref<128x128xf32, #tpu.memory_space<vmem>>, vector<1x16xf32>,
      %swap3A_201 = vector.shape_cast %swap3A_200 : vector<1x16xf32> to vector<16xf32>
      %swap3A_202 = vector.shape_cast %max3A_197 : vector<16xf32> to vector<1x16xf32>
      tpu.vector_store %arg10[%swap3A_198, %swap3A_199], %swap3A_202 {strides = array<i32>} : memref<128x128xf32, #tpu.memory_space<vmem>>, vector<1x16xf32>,
      %max3A_203 = arith.maximumf %parallel_loop3A_161#7, %broadcast_in_dim3A_162 : vector<16xf32>
      %swap3A_204 = arith.index_cast %add3A_113 : i32 to index
      %swap3A_205 = arith.constant 112 : index
      %swap3A_206 = tpu.vector_load %arg10[%swap3A_204, %swap3A_205] {strides = array<i32>} : memref<128x128xf32, #tpu.memory_space<vmem>>, vector<1x16xf32>,
      %swap3A_207 = vector.shape_cast %swap3A_206 : vector<1x16xf32> to vector<16xf32>
      %swap3A_208 = vector.shape_cast %max3A_203 : vector<16xf32> to vector<1x16xf32>
      tpu.vector_store %arg10[%swap3A_204, %swap3A_205], %swap3A_208 {strides = array<i32>} : memref<128x128xf32, #tpu.memory_space<vmem>>, vector<1x16xf32>,
      %add3A_209 = arith.constant 4 : i32
      %add3A_210 = arith.addi %add3A_113, %add3A_209 : i32
      %lt3A = arith.constant 128 : i32
      %lt3A_211 = arith.cmpi slt, %add3A_210, %lt3A : i32
      %convert_element_type3A_212 = arith.extui %lt3A_211 : i1 to i32
      %cond3A_213 = arith.constant 0 : i32
      %cond3A_214 = arith.cmpi ne, %convert_element_type3A_212, %cond3A_213 : i32
      scf.if %cond3A_214 {
        %dma_start3A_551 = arith.constant 0 : i32
        %dma_start3A_552 = arith.constant 0 : i32
        %dma_start3A_553 = arith.constant 0 : i32
        %dma_start3A_554 = tpu.memref_slice %arg9[%dma_start3A_551, %dma_start3A_552, %dma_start3A_553] : memref<4x72x128xf32, #tpu.memory_space<vmem>> -> memref<1x72x128xf32, #tpu.memory_space<vmem>>
        %dma_start3A_555 = tpu.memref_squeeze %dma_start3A_554 : memref<1x72x128xf32, #tpu.memory_space<vmem>> -> memref<72x128xf32, #tpu.memory_space<vmem>>
        %dma_start3A_556 = arith.constant 0 : i32
        %dma_start3A_557 = tpu.memref_slice %arg7[%add3A_210, %dma_start3A_556] : memref<128x72xi32, #tpu.memory_space<vmem>> -> memref<1x72xi32, #tpu.memory_space<vmem>>
        %dma_start3A_558 = tpu.memref_squeeze %dma_start3A_557 : memref<1x72xi32, #tpu.memory_space<vmem>> -> memref<72xi32, #tpu.memory_space<vmem>>
        %dma_start3A_559 = arith.constant 0 : i32
        %dma_start3A_560 = arith.constant 0 : i32
        %dma_start3A_561 = tpu.memref_slice %arg12[%dma_start3A_559, %dma_start3A_560] : memref<4608x128xf32, #tpu.memory_space<vmem_shared>> -> memref<4608x128xf32, #tpu.memory_space<vmem_shared>>
        tpu.enqueue_indirect_dma source(%dma_start3A_561 : memref<4608x128xf32, #tpu.memory_space<vmem_shared>>) target(%dma_start3A_555 : memref<72x128xf32, #tpu.memory_space<vmem>>) offsets(%dma_start3A_558 : memref<72xi32, #tpu.memory_space<vmem>>) semaphore(%arg13 : memref<!tpu.dma_semaphore, #tpu.memory_space<semaphore_mem>>)
        %add3A_562 = arith.addi %mul3A_2, %add3A_210 : i32
        %mul3A_563 = arith.constant 1152 : i32
        %mul3A_564 = arith.muli %add3A_562, %mul3A_563 : i32
        %dma_start3A_565 = arith.constant 0 : i32
        %dma_start3A_566 = arith.constant 0 : i32
        %dma_start3A_567 = tpu.memref_slice %arg8[%dma_start3A_565, %dma_start3A_566] : memref<4x1152xf32, #tpu.memory_space<vmem>> -> memref<1x1152xf32, #tpu.memory_space<vmem>>
        %dma_start3A_568 = tpu.memref_squeeze %dma_start3A_567 : memref<1x1152xf32, #tpu.memory_space<vmem>> -> memref<1152xf32, #tpu.memory_space<vmem>>
        %dma_start3A_569 = tpu.memref_slice %arg4[%mul3A_564] : memref<4718592xf32, #tpu.memory_space<hbm>> -> memref<1152xf32, #tpu.memory_space<hbm>>
        %dma_start3A_570 = arith.constant 0 : i32
        %dma_start3A_571 = tpu.memref_slice %arg8[%dma_start3A_565, %dma_start3A_570] : memref<4x1152xf32, #tpu.memory_space<vmem>> -> memref<1x1152xf32, #tpu.memory_space<vmem>>
        %dma_start3A_572 = tpu.memref_squeeze %dma_start3A_571 : memref<1x1152xf32, #tpu.memory_space<vmem>> -> memref<1152xf32, #tpu.memory_space<vmem>>
        %dma_start3A_573 = tpu.memref_slice %arg4[%mul3A_564] : memref<4718592xf32, #tpu.memory_space<hbm>> -> memref<1152xf32, #tpu.memory_space<hbm>>
        tpu.enqueue_dma source(%dma_start3A_573 : memref<1152xf32, #tpu.memory_space<hbm>>) target(%dma_start3A_572 : memref<1152xf32, #tpu.memory_space<vmem>>) target_semaphore(%arg17 : memref<!tpu.dma_semaphore, #tpu.memory_space<semaphore_mem>>)
      } else {
      }
      %mul3A_215 = arith.constant 4 : i32
      %mul3A_216 = arith.muli %scan3A_109, %mul3A_215 : i32
      %add3A_217 = arith.constant 1 : i32
      %add3A_218 = arith.addi %mul3A_216, %add3A_217 : i32
      %dma_wait3A_219 = arith.constant 1 : i32
      %dma_wait3A_220 = arith.constant 0 : i32
      %dma_wait3A_221 = arith.constant 0 : i32
      %dma_wait3A_222 = tpu.memref_slice %arg9[%dma_wait3A_219, %dma_wait3A_220, %dma_wait3A_221] : memref<4x72x128xf32, #tpu.memory_space<vmem>> -> memref<1x72x128xf32, #tpu.memory_space<vmem>>
      %dma_wait3A_223 = tpu.memref_squeeze %dma_wait3A_222 : memref<1x72x128xf32, #tpu.memory_space<vmem>> -> memref<72x128xf32, #tpu.memory_space<vmem>>
      %dma_wait3A_224 = arith.constant 0 : i32
      %dma_wait3A_225 = tpu.memref_slice %arg7[%add3A_218, %dma_wait3A_224] : memref<128x72xi32, #tpu.memory_space<vmem>> -> memref<1x72xi32, #tpu.memory_space<vmem>>
      %dma_wait3A_226 = tpu.memref_squeeze %dma_wait3A_225 : memref<1x72xi32, #tpu.memory_space<vmem>> -> memref<72xi32, #tpu.memory_space<vmem>>
      %dma_wait3A_227 = arith.constant 0 : i32
      %dma_wait3A_228 = arith.constant 0 : i32
      %dma_wait3A_229 = tpu.memref_slice %arg2[%dma_wait3A_227, %dma_wait3A_228] : memref<4608x128xf32, #tpu.memory_space<hbm>> -> memref<4608x128xf32, #tpu.memory_space<hbm>>
      tpu.wait_indirect_dma semaphore(%arg14 : memref<!tpu.dma_semaphore, #tpu.memory_space<semaphore_mem>>) src(%dma_wait3A_229 : memref<4608x128xf32, #tpu.memory_space<hbm>>) dst(%dma_wait3A_223 : memref<72x128xf32, #tpu.memory_space<vmem>>)
      %add3A_230 = arith.addi %mul3A_2, %add3A_218 : i32
      %mul3A_231 = arith.constant 1152 : i32
      %mul3A_232 = arith.muli %add3A_230, %mul3A_231 : i32
      %dma_wait3A_233 = arith.constant 1 : i32
      %dma_wait3A_234 = arith.constant 0 : i32
      %dma_wait3A_235 = tpu.memref_slice %arg8[%dma_wait3A_233, %dma_wait3A_234] : memref<4x1152xf32, #tpu.memory_space<vmem>> -> memref<1x1152xf32, #tpu.memory_space<vmem>>
      %dma_wait3A_236 = tpu.memref_squeeze %dma_wait3A_235 : memref<1x1152xf32, #tpu.memory_space<vmem>> -> memref<1152xf32, #tpu.memory_space<vmem>>
      %dma_wait3A_237 = tpu.memref_slice %arg4[%mul3A_232] : memref<4718592xf32, #tpu.memory_space<hbm>> -> memref<1152xf32, #tpu.memory_space<hbm>>
      %dma_wait3A_238 = arith.constant 0 : i32
      %dma_wait3A_239 = tpu.memref_slice %arg8[%dma_wait3A_233, %dma_wait3A_238] : memref<4x1152xf32, #tpu.memory_space<vmem>> -> memref<1x1152xf32, #tpu.memory_space<vmem>>
      %dma_wait3A_240 = tpu.memref_squeeze %dma_wait3A_239 : memref<1x1152xf32, #tpu.memory_space<vmem>> -> memref<1152xf32, #tpu.memory_space<vmem>>
      %dma_wait3A_241 = tpu.memref_slice %arg4[%mul3A_232] : memref<4718592xf32, #tpu.memory_space<hbm>> -> memref<1152xf32, #tpu.memory_space<hbm>>
      tpu.wait_dma2 semaphore(%arg18 : memref<!tpu.dma_semaphore, #tpu.memory_space<semaphore_mem>>) src(%dma_wait3A_241 : memref<1152xf32, #tpu.memory_space<hbm>>) dst(%dma_wait3A_240 : memref<1152xf32, #tpu.memory_space<vmem>>)
      %get3A_242 = arith.constant 0 : index
      %get3A_243 = tpu.vector_load %arg11[%get3A_242] {strides = array<i32>} : memref<128xf32, #tpu.memory_space<vmem>>, vector<16xf32>,
      %get3A_244 = vector.shape_cast %get3A_243 : vector<16xf32> to vector<16xf32>
      %get3A_245 = arith.constant 16 : index
      %get3A_246 = tpu.vector_load %arg11[%get3A_245] {strides = array<i32>} : memref<128xf32, #tpu.memory_space<vmem>>, vector<16xf32>,
      %get3A_247 = vector.shape_cast %get3A_246 : vector<16xf32> to vector<16xf32>
      %get3A_248 = arith.constant 32 : index
      %get3A_249 = tpu.vector_load %arg11[%get3A_248] {strides = array<i32>} : memref<128xf32, #tpu.memory_space<vmem>>, vector<16xf32>,
      %get3A_250 = vector.shape_cast %get3A_249 : vector<16xf32> to vector<16xf32>
      %get3A_251 = arith.constant 48 : index
      %get3A_252 = tpu.vector_load %arg11[%get3A_251] {strides = array<i32>} : memref<128xf32, #tpu.memory_space<vmem>>, vector<16xf32>,
      %get3A_253 = vector.shape_cast %get3A_252 : vector<16xf32> to vector<16xf32>
      %get3A_254 = arith.constant 64 : index
      %get3A_255 = tpu.vector_load %arg11[%get3A_254] {strides = array<i32>} : memref<128xf32, #tpu.memory_space<vmem>>, vector<16xf32>,
      %get3A_256 = vector.shape_cast %get3A_255 : vector<16xf32> to vector<16xf32>
      %get3A_257 = arith.constant 80 : index
      %get3A_258 = tpu.vector_load %arg11[%get3A_257] {strides = array<i32>} : memref<128xf32, #tpu.memory_space<vmem>>, vector<16xf32>,
      %get3A_259 = vector.shape_cast %get3A_258 : vector<16xf32> to vector<16xf32>
      %get3A_260 = arith.constant 96 : index
      %get3A_261 = tpu.vector_load %arg11[%get3A_260] {strides = array<i32>} : memref<128xf32, #tpu.memory_space<vmem>>, vector<16xf32>,
      %get3A_262 = vector.shape_cast %get3A_261 : vector<16xf32> to vector<16xf32>
      %get3A_263 = arith.constant 112 : index
      %get3A_264 = tpu.vector_load %arg11[%get3A_263] {strides = array<i32>} : memref<128xf32, #tpu.memory_space<vmem>>, vector<16xf32>,
      %get3A_265 = vector.shape_cast %get3A_264 : vector<16xf32> to vector<16xf32>
      %parallel_loop3A_266 = arith.constant 0 : i32
      %parallel_loop3A_267 = arith.constant 72 : i32
      %parallel_loop3A_268 = arith.constant 1 : i32
      %parallel_loop3A_269:8 = scf.for %parallel_loop3A_551 = %parallel_loop3A_266 to %parallel_loop3A_267 step %parallel_loop3A_268 iter_args(%parallel_loop3A_552 = %get3A_244, %parallel_loop3A_553 = %get3A_247, %parallel_loop3A_554 = %get3A_250, %parallel_loop3A_555 = %get3A_253, %parallel_loop3A_556 = %get3A_256, %parallel_loop3A_557 = %get3A_259, %parallel_loop3A_558 = %get3A_262, %parallel_loop3A_559 = %get3A_265) -> (vector<16xf32>, vector<16xf32>, vector<16xf32>, vector<16xf32>, vector<16xf32>, vector<16xf32>, vector<16xf32>, vector<16xf32>)  : i32 {
        %parallel_loop3A_560 = arith.constant 16 : i32
        %parallel_loop3A_561 = arith.muli %parallel_loop3A_551, %parallel_loop3A_560 : i32
        %parallel_loop3A_562 = arith.constant 1 : i32
        %parallel_loop3A_563 = arith.index_cast %parallel_loop3A_562 : i32 to index
        %parallel_loop3A_564 = arith.index_cast %parallel_loop3A_561 : i32 to index
        %parallel_loop3A_565 = tpu.vector_load %arg8[%parallel_loop3A_563, %parallel_loop3A_564] {strides = array<i32>} : memref<4x1152xf32, #tpu.memory_space<vmem>>, vector<1x16xf32>,
        %parallel_loop3A_566 = vector.shape_cast %parallel_loop3A_565 : vector<1x16xf32> to vector<16xf32>
        %parallel_loop3A_567 = arith.constant 1 : i32
        %parallel_loop3A_568 = arith.index_cast %parallel_loop3A_567 : i32 to index
        %parallel_loop3A_569 = arith.index_cast %parallel_loop3A_551 : i32 to index
        %parallel_loop3A_570 = arith.constant 0 : index
        %parallel_loop3A_571 = tpu.vector_load %arg9[%parallel_loop3A_568, %parallel_loop3A_569, %parallel_loop3A_570] {strides = array<i32>} : memref<4x72x128xf32, #tpu.memory_space<vmem>>, vector<1x1x16xf32>,
        %parallel_loop3A_572 = vector.shape_cast %parallel_loop3A_571 : vector<1x1x16xf32> to vector<16xf32>
        %parallel_loop3A_573 = arith.mulf %parallel_loop3A_566, %parallel_loop3A_572 : vector<16xf32>
        %parallel_loop3A_574 = arith.addf %parallel_loop3A_552, %parallel_loop3A_573 : vector<16xf32>
        %parallel_loop3A_575 = arith.constant 1 : i32
        %parallel_loop3A_576 = arith.index_cast %parallel_loop3A_575 : i32 to index
        %parallel_loop3A_577 = arith.index_cast %parallel_loop3A_551 : i32 to index
        %parallel_loop3A_578 = arith.constant 16 : index
        %parallel_loop3A_579 = tpu.vector_load %arg9[%parallel_loop3A_576, %parallel_loop3A_577, %parallel_loop3A_578] {strides = array<i32>} : memref<4x72x128xf32, #tpu.memory_space<vmem>>, vector<1x1x16xf32>,
        %parallel_loop3A_580 = vector.shape_cast %parallel_loop3A_579 : vector<1x1x16xf32> to vector<16xf32>
        %parallel_loop3A_581 = arith.mulf %parallel_loop3A_566, %parallel_loop3A_580 : vector<16xf32>
        %parallel_loop3A_582 = arith.addf %parallel_loop3A_553, %parallel_loop3A_581 : vector<16xf32>
        %parallel_loop3A_583 = arith.constant 1 : i32
        %parallel_loop3A_584 = arith.index_cast %parallel_loop3A_583 : i32 to index
        %parallel_loop3A_585 = arith.index_cast %parallel_loop3A_551 : i32 to index
        %parallel_loop3A_586 = arith.constant 32 : index
        %parallel_loop3A_587 = tpu.vector_load %arg9[%parallel_loop3A_584, %parallel_loop3A_585, %parallel_loop3A_586] {strides = array<i32>} : memref<4x72x128xf32, #tpu.memory_space<vmem>>, vector<1x1x16xf32>,
        %parallel_loop3A_588 = vector.shape_cast %parallel_loop3A_587 : vector<1x1x16xf32> to vector<16xf32>
        %parallel_loop3A_589 = arith.mulf %parallel_loop3A_566, %parallel_loop3A_588 : vector<16xf32>
        %parallel_loop3A_590 = arith.addf %parallel_loop3A_554, %parallel_loop3A_589 : vector<16xf32>
        %parallel_loop3A_591 = arith.constant 1 : i32
        %parallel_loop3A_592 = arith.index_cast %parallel_loop3A_591 : i32 to index
        %parallel_loop3A_593 = arith.index_cast %parallel_loop3A_551 : i32 to index
        %parallel_loop3A_594 = arith.constant 48 : index
        %parallel_loop3A_595 = tpu.vector_load %arg9[%parallel_loop3A_592, %parallel_loop3A_593, %parallel_loop3A_594] {strides = array<i32>} : memref<4x72x128xf32, #tpu.memory_space<vmem>>, vector<1x1x16xf32>,
        %parallel_loop3A_596 = vector.shape_cast %parallel_loop3A_595 : vector<1x1x16xf32> to vector<16xf32>
        %parallel_loop3A_597 = arith.mulf %parallel_loop3A_566, %parallel_loop3A_596 : vector<16xf32>
        %parallel_loop3A_598 = arith.addf %parallel_loop3A_555, %parallel_loop3A_597 : vector<16xf32>
        %parallel_loop3A_599 = arith.constant 1 : i32
        %parallel_loop3A_600 = arith.index_cast %parallel_loop3A_599 : i32 to index
        %parallel_loop3A_601 = arith.index_cast %parallel_loop3A_551 : i32 to index
        %parallel_loop3A_602 = arith.constant 64 : index
        %parallel_loop3A_603 = tpu.vector_load %arg9[%parallel_loop3A_600, %parallel_loop3A_601, %parallel_loop3A_602] {strides = array<i32>} : memref<4x72x128xf32, #tpu.memory_space<vmem>>, vector<1x1x16xf32>,
        %parallel_loop3A_604 = vector.shape_cast %parallel_loop3A_603 : vector<1x1x16xf32> to vector<16xf32>
        %parallel_loop3A_605 = arith.mulf %parallel_loop3A_566, %parallel_loop3A_604 : vector<16xf32>
        %parallel_loop3A_606 = arith.addf %parallel_loop3A_556, %parallel_loop3A_605 : vector<16xf32>
        %parallel_loop3A_607 = arith.constant 1 : i32
        %parallel_loop3A_608 = arith.index_cast %parallel_loop3A_607 : i32 to index
        %parallel_loop3A_609 = arith.index_cast %parallel_loop3A_551 : i32 to index
        %parallel_loop3A_610 = arith.constant 80 : index
        %parallel_loop3A_611 = tpu.vector_load %arg9[%parallel_loop3A_608, %parallel_loop3A_609, %parallel_loop3A_610] {strides = array<i32>} : memref<4x72x128xf32, #tpu.memory_space<vmem>>, vector<1x1x16xf32>,
        %parallel_loop3A_612 = vector.shape_cast %parallel_loop3A_611 : vector<1x1x16xf32> to vector<16xf32>
        %parallel_loop3A_613 = arith.mulf %parallel_loop3A_566, %parallel_loop3A_612 : vector<16xf32>
        %parallel_loop3A_614 = arith.addf %parallel_loop3A_557, %parallel_loop3A_613 : vector<16xf32>
        %parallel_loop3A_615 = arith.constant 1 : i32
        %parallel_loop3A_616 = arith.index_cast %parallel_loop3A_615 : i32 to index
        %parallel_loop3A_617 = arith.index_cast %parallel_loop3A_551 : i32 to index
        %parallel_loop3A_618 = arith.constant 96 : index
        %parallel_loop3A_619 = tpu.vector_load %arg9[%parallel_loop3A_616, %parallel_loop3A_617, %parallel_loop3A_618] {strides = array<i32>} : memref<4x72x128xf32, #tpu.memory_space<vmem>>, vector<1x1x16xf32>,
        %parallel_loop3A_620 = vector.shape_cast %parallel_loop3A_619 : vector<1x1x16xf32> to vector<16xf32>
        %parallel_loop3A_621 = arith.mulf %parallel_loop3A_566, %parallel_loop3A_620 : vector<16xf32>
        %parallel_loop3A_622 = arith.addf %parallel_loop3A_558, %parallel_loop3A_621 : vector<16xf32>
        %parallel_loop3A_623 = arith.constant 1 : i32
        %parallel_loop3A_624 = arith.index_cast %parallel_loop3A_623 : i32 to index
        %parallel_loop3A_625 = arith.index_cast %parallel_loop3A_551 : i32 to index
        %parallel_loop3A_626 = arith.constant 112 : index
        %parallel_loop3A_627 = tpu.vector_load %arg9[%parallel_loop3A_624, %parallel_loop3A_625, %parallel_loop3A_626] {strides = array<i32>} : memref<4x72x128xf32, #tpu.memory_space<vmem>>, vector<1x1x16xf32>,
        %parallel_loop3A_628 = vector.shape_cast %parallel_loop3A_627 : vector<1x1x16xf32> to vector<16xf32>
        %parallel_loop3A_629 = arith.mulf %parallel_loop3A_566, %parallel_loop3A_628 : vector<16xf32>
        %parallel_loop3A_630 = arith.addf %parallel_loop3A_559, %parallel_loop3A_629 : vector<16xf32>
        scf.yield %parallel_loop3A_574, %parallel_loop3A_582, %parallel_loop3A_590, %parallel_loop3A_598, %parallel_loop3A_606, %parallel_loop3A_614, %parallel_loop3A_622, %parallel_loop3A_630 : vector<16xf32>, vector<16xf32>, vector<16xf32>, vector<16xf32>, vector<16xf32>, vector<16xf32>, vector<16xf32>, vector<16xf32>
      } {sc.loop_unroll_factor = 12 : i64, sc.parallel_access}
      %broadcast_in_dim3A_270 = arith.constant 0.000000e+00 : f32
      %broadcast_in_dim3A_271 = vector.broadcast %broadcast_in_dim3A_270 : f32 to vector<16xf32>
      %max3A_272 = arith.maximumf %parallel_loop3A_269#0, %broadcast_in_dim3A_271 : vector<16xf32>
      %swap3A_273 = arith.index_cast %add3A_218 : i32 to index
      %swap3A_274 = arith.constant 0 : index
      %swap3A_275 = tpu.vector_load %arg10[%swap3A_273, %swap3A_274] {strides = array<i32>} : memref<128x128xf32, #tpu.memory_space<vmem>>, vector<1x16xf32>,
      %swap3A_276 = vector.shape_cast %swap3A_275 : vector<1x16xf32> to vector<16xf32>
      %swap3A_277 = vector.shape_cast %max3A_272 : vector<16xf32> to vector<1x16xf32>
      tpu.vector_store %arg10[%swap3A_273, %swap3A_274], %swap3A_277 {strides = array<i32>} : memref<128x128xf32, #tpu.memory_space<vmem>>, vector<1x16xf32>,
      %max3A_278 = arith.maximumf %parallel_loop3A_269#1, %broadcast_in_dim3A_271 : vector<16xf32>
      %swap3A_279 = arith.index_cast %add3A_218 : i32 to index
      %swap3A_280 = arith.constant 16 : index
      %swap3A_281 = tpu.vector_load %arg10[%swap3A_279, %swap3A_280] {strides = array<i32>} : memref<128x128xf32, #tpu.memory_space<vmem>>, vector<1x16xf32>,
      %swap3A_282 = vector.shape_cast %swap3A_281 : vector<1x16xf32> to vector<16xf32>
      %swap3A_283 = vector.shape_cast %max3A_278 : vector<16xf32> to vector<1x16xf32>
      tpu.vector_store %arg10[%swap3A_279, %swap3A_280], %swap3A_283 {strides = array<i32>} : memref<128x128xf32, #tpu.memory_space<vmem>>, vector<1x16xf32>,
      %max3A_284 = arith.maximumf %parallel_loop3A_269#2, %broadcast_in_dim3A_271 : vector<16xf32>
      %swap3A_285 = arith.index_cast %add3A_218 : i32 to index
      %swap3A_286 = arith.constant 32 : index
      %swap3A_287 = tpu.vector_load %arg10[%swap3A_285, %swap3A_286] {strides = array<i32>} : memref<128x128xf32, #tpu.memory_space<vmem>>, vector<1x16xf32>,
      %swap3A_288 = vector.shape_cast %swap3A_287 : vector<1x16xf32> to vector<16xf32>
      %swap3A_289 = vector.shape_cast %max3A_284 : vector<16xf32> to vector<1x16xf32>
      tpu.vector_store %arg10[%swap3A_285, %swap3A_286], %swap3A_289 {strides = array<i32>} : memref<128x128xf32, #tpu.memory_space<vmem>>, vector<1x16xf32>,
      %max3A_290 = arith.maximumf %parallel_loop3A_269#3, %broadcast_in_dim3A_271 : vector<16xf32>
      %swap3A_291 = arith.index_cast %add3A_218 : i32 to index
      %swap3A_292 = arith.constant 48 : index
      %swap3A_293 = tpu.vector_load %arg10[%swap3A_291, %swap3A_292] {strides = array<i32>} : memref<128x128xf32, #tpu.memory_space<vmem>>, vector<1x16xf32>,
      %swap3A_294 = vector.shape_cast %swap3A_293 : vector<1x16xf32> to vector<16xf32>
      %swap3A_295 = vector.shape_cast %max3A_290 : vector<16xf32> to vector<1x16xf32>
      tpu.vector_store %arg10[%swap3A_291, %swap3A_292], %swap3A_295 {strides = array<i32>} : memref<128x128xf32, #tpu.memory_space<vmem>>, vector<1x16xf32>,
      %max3A_296 = arith.maximumf %parallel_loop3A_269#4, %broadcast_in_dim3A_271 : vector<16xf32>
      %swap3A_297 = arith.index_cast %add3A_218 : i32 to index
      %swap3A_298 = arith.constant 64 : index
      %swap3A_299 = tpu.vector_load %arg10[%swap3A_297, %swap3A_298] {strides = array<i32>} : memref<128x128xf32, #tpu.memory_space<vmem>>, vector<1x16xf32>,
      %swap3A_300 = vector.shape_cast %swap3A_299 : vector<1x16xf32> to vector<16xf32>
      %swap3A_301 = vector.shape_cast %max3A_296 : vector<16xf32> to vector<1x16xf32>
      tpu.vector_store %arg10[%swap3A_297, %swap3A_298], %swap3A_301 {strides = array<i32>} : memref<128x128xf32, #tpu.memory_space<vmem>>, vector<1x16xf32>,
      %max3A_302 = arith.maximumf %parallel_loop3A_269#5, %broadcast_in_dim3A_271 : vector<16xf32>
      %swap3A_303 = arith.index_cast %add3A_218 : i32 to index
      %swap3A_304 = arith.constant 80 : index
      %swap3A_305 = tpu.vector_load %arg10[%swap3A_303, %swap3A_304] {strides = array<i32>} : memref<128x128xf32, #tpu.memory_space<vmem>>, vector<1x16xf32>,
      %swap3A_306 = vector.shape_cast %swap3A_305 : vector<1x16xf32> to vector<16xf32>
      %swap3A_307 = vector.shape_cast %max3A_302 : vector<16xf32> to vector<1x16xf32>
      tpu.vector_store %arg10[%swap3A_303, %swap3A_304], %swap3A_307 {strides = array<i32>} : memref<128x128xf32, #tpu.memory_space<vmem>>, vector<1x16xf32>,
      %max3A_308 = arith.maximumf %parallel_loop3A_269#6, %broadcast_in_dim3A_271 : vector<16xf32>
      %swap3A_309 = arith.index_cast %add3A_218 : i32 to index
      %swap3A_310 = arith.constant 96 : index
      %swap3A_311 = tpu.vector_load %arg10[%swap3A_309, %swap3A_310] {strides = array<i32>} : memref<128x128xf32, #tpu.memory_space<vmem>>, vector<1x16xf32>,
      %swap3A_312 = vector.shape_cast %swap3A_311 : vector<1x16xf32> to vector<16xf32>
      %swap3A_313 = vector.shape_cast %max3A_308 : vector<16xf32> to vector<1x16xf32>
      tpu.vector_store %arg10[%swap3A_309, %swap3A_310], %swap3A_313 {strides = array<i32>} : memref<128x128xf32, #tpu.memory_space<vmem>>, vector<1x16xf32>,
      %max3A_314 = arith.maximumf %parallel_loop3A_269#7, %broadcast_in_dim3A_271 : vector<16xf32>
      %swap3A_315 = arith.index_cast %add3A_218 : i32 to index
      %swap3A_316 = arith.constant 112 : index
      %swap3A_317 = tpu.vector_load %arg10[%swap3A_315, %swap3A_316] {strides = array<i32>} : memref<128x128xf32, #tpu.memory_space<vmem>>, vector<1x16xf32>,
      %swap3A_318 = vector.shape_cast %swap3A_317 : vector<1x16xf32> to vector<16xf32>
      %swap3A_319 = vector.shape_cast %max3A_314 : vector<16xf32> to vector<1x16xf32>
      tpu.vector_store %arg10[%swap3A_315, %swap3A_316], %swap3A_319 {strides = array<i32>} : memref<128x128xf32, #tpu.memory_space<vmem>>, vector<1x16xf32>,
      %add3A_320 = arith.constant 4 : i32
      %add3A_321 = arith.addi %add3A_218, %add3A_320 : i32
      %lt3A_322 = arith.constant 128 : i32
      %lt3A_323 = arith.cmpi slt, %add3A_321, %lt3A_322 : i32
      %convert_element_type3A_324 = arith.extui %lt3A_323 : i1 to i32
      %cond3A_325 = arith.constant 0 : i32
      %cond3A_326 = arith.cmpi ne, %convert_element_type3A_324, %cond3A_325 : i32
      scf.if %cond3A_326 {
        %dma_start3A_551 = arith.constant 1 : i32
        %dma_start3A_552 = arith.constant 0 : i32
        %dma_start3A_553 = arith.constant 0 : i32
        %dma_start3A_554 = tpu.memref_slice %arg9[%dma_start3A_551, %dma_start3A_552, %dma_start3A_553] : memref<4x72x128xf32, #tpu.memory_space<vmem>> -> memref<1x72x128xf32, #tpu.memory_space<vmem>>
        %dma_start3A_555 = tpu.memref_squeeze %dma_start3A_554 : memref<1x72x128xf32, #tpu.memory_space<vmem>> -> memref<72x128xf32, #tpu.memory_space<vmem>>
        %dma_start3A_556 = arith.constant 0 : i32
        %dma_start3A_557 = tpu.memref_slice %arg7[%add3A_321, %dma_start3A_556] : memref<128x72xi32, #tpu.memory_space<vmem>> -> memref<1x72xi32, #tpu.memory_space<vmem>>
        %dma_start3A_558 = tpu.memref_squeeze %dma_start3A_557 : memref<1x72xi32, #tpu.memory_space<vmem>> -> memref<72xi32, #tpu.memory_space<vmem>>
        %dma_start3A_559 = arith.constant 0 : i32
        %dma_start3A_560 = arith.constant 0 : i32
        %dma_start3A_561 = tpu.memref_slice %arg12[%dma_start3A_559, %dma_start3A_560] : memref<4608x128xf32, #tpu.memory_space<vmem_shared>> -> memref<4608x128xf32, #tpu.memory_space<vmem_shared>>
        tpu.enqueue_indirect_dma source(%dma_start3A_561 : memref<4608x128xf32, #tpu.memory_space<vmem_shared>>) target(%dma_start3A_555 : memref<72x128xf32, #tpu.memory_space<vmem>>) offsets(%dma_start3A_558 : memref<72xi32, #tpu.memory_space<vmem>>) semaphore(%arg14 : memref<!tpu.dma_semaphore, #tpu.memory_space<semaphore_mem>>)
        %add3A_562 = arith.addi %mul3A_2, %add3A_321 : i32
        %mul3A_563 = arith.constant 1152 : i32
        %mul3A_564 = arith.muli %add3A_562, %mul3A_563 : i32
        %dma_start3A_565 = arith.constant 1 : i32
        %dma_start3A_566 = arith.constant 0 : i32
        %dma_start3A_567 = tpu.memref_slice %arg8[%dma_start3A_565, %dma_start3A_566] : memref<4x1152xf32, #tpu.memory_space<vmem>> -> memref<1x1152xf32, #tpu.memory_space<vmem>>
        %dma_start3A_568 = tpu.memref_squeeze %dma_start3A_567 : memref<1x1152xf32, #tpu.memory_space<vmem>> -> memref<1152xf32, #tpu.memory_space<vmem>>
        %dma_start3A_569 = tpu.memref_slice %arg4[%mul3A_564] : memref<4718592xf32, #tpu.memory_space<hbm>> -> memref<1152xf32, #tpu.memory_space<hbm>>
        %dma_start3A_570 = arith.constant 0 : i32
        %dma_start3A_571 = tpu.memref_slice %arg8[%dma_start3A_565, %dma_start3A_570] : memref<4x1152xf32, #tpu.memory_space<vmem>> -> memref<1x1152xf32, #tpu.memory_space<vmem>>
        %dma_start3A_572 = tpu.memref_squeeze %dma_start3A_571 : memref<1x1152xf32, #tpu.memory_space<vmem>> -> memref<1152xf32, #tpu.memory_space<vmem>>
        %dma_start3A_573 = tpu.memref_slice %arg4[%mul3A_564] : memref<4718592xf32, #tpu.memory_space<hbm>> -> memref<1152xf32, #tpu.memory_space<hbm>>
        tpu.enqueue_dma source(%dma_start3A_573 : memref<1152xf32, #tpu.memory_space<hbm>>) target(%dma_start3A_572 : memref<1152xf32, #tpu.memory_space<vmem>>) target_semaphore(%arg18 : memref<!tpu.dma_semaphore, #tpu.memory_space<semaphore_mem>>)
      } else {
      }
      %mul3A_327 = arith.constant 4 : i32
      %mul3A_328 = arith.muli %scan3A_109, %mul3A_327 : i32
      %add3A_329 = arith.constant 2 : i32
      %add3A_330 = arith.addi %mul3A_328, %add3A_329 : i32
      %dma_wait3A_331 = arith.constant 2 : i32
      %dma_wait3A_332 = arith.constant 0 : i32
      %dma_wait3A_333 = arith.constant 0 : i32
      %dma_wait3A_334 = tpu.memref_slice %arg9[%dma_wait3A_331, %dma_wait3A_332, %dma_wait3A_333] : memref<4x72x128xf32, #tpu.memory_space<vmem>> -> memref<1x72x128xf32, #tpu.memory_space<vmem>>
      %dma_wait3A_335 = tpu.memref_squeeze %dma_wait3A_334 : memref<1x72x128xf32, #tpu.memory_space<vmem>> -> memref<72x128xf32, #tpu.memory_space<vmem>>
      %dma_wait3A_336 = arith.constant 0 : i32
      %dma_wait3A_337 = tpu.memref_slice %arg7[%add3A_330, %dma_wait3A_336] : memref<128x72xi32, #tpu.memory_space<vmem>> -> memref<1x72xi32, #tpu.memory_space<vmem>>
      %dma_wait3A_338 = tpu.memref_squeeze %dma_wait3A_337 : memref<1x72xi32, #tpu.memory_space<vmem>> -> memref<72xi32, #tpu.memory_space<vmem>>
      %dma_wait3A_339 = arith.constant 0 : i32
      %dma_wait3A_340 = arith.constant 0 : i32
      %dma_wait3A_341 = tpu.memref_slice %arg2[%dma_wait3A_339, %dma_wait3A_340] : memref<4608x128xf32, #tpu.memory_space<hbm>> -> memref<4608x128xf32, #tpu.memory_space<hbm>>
      tpu.wait_indirect_dma semaphore(%arg15 : memref<!tpu.dma_semaphore, #tpu.memory_space<semaphore_mem>>) src(%dma_wait3A_341 : memref<4608x128xf32, #tpu.memory_space<hbm>>) dst(%dma_wait3A_335 : memref<72x128xf32, #tpu.memory_space<vmem>>)
      %add3A_342 = arith.addi %mul3A_2, %add3A_330 : i32
      %mul3A_343 = arith.constant 1152 : i32
      %mul3A_344 = arith.muli %add3A_342, %mul3A_343 : i32
      %dma_wait3A_345 = arith.constant 2 : i32
      %dma_wait3A_346 = arith.constant 0 : i32
      %dma_wait3A_347 = tpu.memref_slice %arg8[%dma_wait3A_345, %dma_wait3A_346] : memref<4x1152xf32, #tpu.memory_space<vmem>> -> memref<1x1152xf32, #tpu.memory_space<vmem>>
      %dma_wait3A_348 = tpu.memref_squeeze %dma_wait3A_347 : memref<1x1152xf32, #tpu.memory_space<vmem>> -> memref<1152xf32, #tpu.memory_space<vmem>>
      %dma_wait3A_349 = tpu.memref_slice %arg4[%mul3A_344] : memref<4718592xf32, #tpu.memory_space<hbm>> -> memref<1152xf32, #tpu.memory_space<hbm>>
      %dma_wait3A_350 = arith.constant 0 : i32
      %dma_wait3A_351 = tpu.memref_slice %arg8[%dma_wait3A_345, %dma_wait3A_350] : memref<4x1152xf32, #tpu.memory_space<vmem>> -> memref<1x1152xf32, #tpu.memory_space<vmem>>
      %dma_wait3A_352 = tpu.memref_squeeze %dma_wait3A_351 : memref<1x1152xf32, #tpu.memory_space<vmem>> -> memref<1152xf32, #tpu.memory_space<vmem>>
      %dma_wait3A_353 = tpu.memref_slice %arg4[%mul3A_344] : memref<4718592xf32, #tpu.memory_space<hbm>> -> memref<1152xf32, #tpu.memory_space<hbm>>
      tpu.wait_dma2 semaphore(%arg19 : memref<!tpu.dma_semaphore, #tpu.memory_space<semaphore_mem>>) src(%dma_wait3A_353 : memref<1152xf32, #tpu.memory_space<hbm>>) dst(%dma_wait3A_352 : memref<1152xf32, #tpu.memory_space<vmem>>)
      %get3A_354 = arith.constant 0 : index
      %get3A_355 = tpu.vector_load %arg11[%get3A_354] {strides = array<i32>} : memref<128xf32, #tpu.memory_space<vmem>>, vector<16xf32>,
      %get3A_356 = vector.shape_cast %get3A_355 : vector<16xf32> to vector<16xf32>
      %get3A_357 = arith.constant 16 : index
      %get3A_358 = tpu.vector_load %arg11[%get3A_357] {strides = array<i32>} : memref<128xf32, #tpu.memory_space<vmem>>, vector<16xf32>,
      %get3A_359 = vector.shape_cast %get3A_358 : vector<16xf32> to vector<16xf32>
      %get3A_360 = arith.constant 32 : index
      %get3A_361 = tpu.vector_load %arg11[%get3A_360] {strides = array<i32>} : memref<128xf32, #tpu.memory_space<vmem>>, vector<16xf32>,
      %get3A_362 = vector.shape_cast %get3A_361 : vector<16xf32> to vector<16xf32>
      %get3A_363 = arith.constant 48 : index
      %get3A_364 = tpu.vector_load %arg11[%get3A_363] {strides = array<i32>} : memref<128xf32, #tpu.memory_space<vmem>>, vector<16xf32>,
      %get3A_365 = vector.shape_cast %get3A_364 : vector<16xf32> to vector<16xf32>
      %get3A_366 = arith.constant 64 : index
      %get3A_367 = tpu.vector_load %arg11[%get3A_366] {strides = array<i32>} : memref<128xf32, #tpu.memory_space<vmem>>, vector<16xf32>,
      %get3A_368 = vector.shape_cast %get3A_367 : vector<16xf32> to vector<16xf32>
      %get3A_369 = arith.constant 80 : index
      %get3A_370 = tpu.vector_load %arg11[%get3A_369] {strides = array<i32>} : memref<128xf32, #tpu.memory_space<vmem>>, vector<16xf32>,
      %get3A_371 = vector.shape_cast %get3A_370 : vector<16xf32> to vector<16xf32>
      %get3A_372 = arith.constant 96 : index
      %get3A_373 = tpu.vector_load %arg11[%get3A_372] {strides = array<i32>} : memref<128xf32, #tpu.memory_space<vmem>>, vector<16xf32>,
      %get3A_374 = vector.shape_cast %get3A_373 : vector<16xf32> to vector<16xf32>
      %get3A_375 = arith.constant 112 : index
      %get3A_376 = tpu.vector_load %arg11[%get3A_375] {strides = array<i32>} : memref<128xf32, #tpu.memory_space<vmem>>, vector<16xf32>,
      %get3A_377 = vector.shape_cast %get3A_376 : vector<16xf32> to vector<16xf32>
      %parallel_loop3A_378 = arith.constant 0 : i32
      %parallel_loop3A_379 = arith.constant 72 : i32
      %parallel_loop3A_380 = arith.constant 1 : i32
      %parallel_loop3A_381:8 = scf.for %parallel_loop3A_551 = %parallel_loop3A_378 to %parallel_loop3A_379 step %parallel_loop3A_380 iter_args(%parallel_loop3A_552 = %get3A_356, %parallel_loop3A_553 = %get3A_359, %parallel_loop3A_554 = %get3A_362, %parallel_loop3A_555 = %get3A_365, %parallel_loop3A_556 = %get3A_368, %parallel_loop3A_557 = %get3A_371, %parallel_loop3A_558 = %get3A_374, %parallel_loop3A_559 = %get3A_377) -> (vector<16xf32>, vector<16xf32>, vector<16xf32>, vector<16xf32>, vector<16xf32>, vector<16xf32>, vector<16xf32>, vector<16xf32>)  : i32 {
        %parallel_loop3A_560 = arith.constant 16 : i32
        %parallel_loop3A_561 = arith.muli %parallel_loop3A_551, %parallel_loop3A_560 : i32
        %parallel_loop3A_562 = arith.constant 2 : i32
        %parallel_loop3A_563 = arith.index_cast %parallel_loop3A_562 : i32 to index
        %parallel_loop3A_564 = arith.index_cast %parallel_loop3A_561 : i32 to index
        %parallel_loop3A_565 = tpu.vector_load %arg8[%parallel_loop3A_563, %parallel_loop3A_564] {strides = array<i32>} : memref<4x1152xf32, #tpu.memory_space<vmem>>, vector<1x16xf32>,
        %parallel_loop3A_566 = vector.shape_cast %parallel_loop3A_565 : vector<1x16xf32> to vector<16xf32>
        %parallel_loop3A_567 = arith.constant 2 : i32
        %parallel_loop3A_568 = arith.index_cast %parallel_loop3A_567 : i32 to index
        %parallel_loop3A_569 = arith.index_cast %parallel_loop3A_551 : i32 to index
        %parallel_loop3A_570 = arith.constant 0 : index
        %parallel_loop3A_571 = tpu.vector_load %arg9[%parallel_loop3A_568, %parallel_loop3A_569, %parallel_loop3A_570] {strides = array<i32>} : memref<4x72x128xf32, #tpu.memory_space<vmem>>, vector<1x1x16xf32>,
        %parallel_loop3A_572 = vector.shape_cast %parallel_loop3A_571 : vector<1x1x16xf32> to vector<16xf32>
        %parallel_loop3A_573 = arith.mulf %parallel_loop3A_566, %parallel_loop3A_572 : vector<16xf32>
        %parallel_loop3A_574 = arith.addf %parallel_loop3A_552, %parallel_loop3A_573 : vector<16xf32>
        %parallel_loop3A_575 = arith.constant 2 : i32
        %parallel_loop3A_576 = arith.index_cast %parallel_loop3A_575 : i32 to index
        %parallel_loop3A_577 = arith.index_cast %parallel_loop3A_551 : i32 to index
        %parallel_loop3A_578 = arith.constant 16 : index
        %parallel_loop3A_579 = tpu.vector_load %arg9[%parallel_loop3A_576, %parallel_loop3A_577, %parallel_loop3A_578] {strides = array<i32>} : memref<4x72x128xf32, #tpu.memory_space<vmem>>, vector<1x1x16xf32>,
        %parallel_loop3A_580 = vector.shape_cast %parallel_loop3A_579 : vector<1x1x16xf32> to vector<16xf32>
        %parallel_loop3A_581 = arith.mulf %parallel_loop3A_566, %parallel_loop3A_580 : vector<16xf32>
        %parallel_loop3A_582 = arith.addf %parallel_loop3A_553, %parallel_loop3A_581 : vector<16xf32>
        %parallel_loop3A_583 = arith.constant 2 : i32
        %parallel_loop3A_584 = arith.index_cast %parallel_loop3A_583 : i32 to index
        %parallel_loop3A_585 = arith.index_cast %parallel_loop3A_551 : i32 to index
        %parallel_loop3A_586 = arith.constant 32 : index
        %parallel_loop3A_587 = tpu.vector_load %arg9[%parallel_loop3A_584, %parallel_loop3A_585, %parallel_loop3A_586] {strides = array<i32>} : memref<4x72x128xf32, #tpu.memory_space<vmem>>, vector<1x1x16xf32>,
        %parallel_loop3A_588 = vector.shape_cast %parallel_loop3A_587 : vector<1x1x16xf32> to vector<16xf32>
        %parallel_loop3A_589 = arith.mulf %parallel_loop3A_566, %parallel_loop3A_588 : vector<16xf32>
        %parallel_loop3A_590 = arith.addf %parallel_loop3A_554, %parallel_loop3A_589 : vector<16xf32>
        %parallel_loop3A_591 = arith.constant 2 : i32
        %parallel_loop3A_592 = arith.index_cast %parallel_loop3A_591 : i32 to index
        %parallel_loop3A_593 = arith.index_cast %parallel_loop3A_551 : i32 to index
        %parallel_loop3A_594 = arith.constant 48 : index
        %parallel_loop3A_595 = tpu.vector_load %arg9[%parallel_loop3A_592, %parallel_loop3A_593, %parallel_loop3A_594] {strides = array<i32>} : memref<4x72x128xf32, #tpu.memory_space<vmem>>, vector<1x1x16xf32>,
        %parallel_loop3A_596 = vector.shape_cast %parallel_loop3A_595 : vector<1x1x16xf32> to vector<16xf32>
        %parallel_loop3A_597 = arith.mulf %parallel_loop3A_566, %parallel_loop3A_596 : vector<16xf32>
        %parallel_loop3A_598 = arith.addf %parallel_loop3A_555, %parallel_loop3A_597 : vector<16xf32>
        %parallel_loop3A_599 = arith.constant 2 : i32
        %parallel_loop3A_600 = arith.index_cast %parallel_loop3A_599 : i32 to index
        %parallel_loop3A_601 = arith.index_cast %parallel_loop3A_551 : i32 to index
        %parallel_loop3A_602 = arith.constant 64 : index
        %parallel_loop3A_603 = tpu.vector_load %arg9[%parallel_loop3A_600, %parallel_loop3A_601, %parallel_loop3A_602] {strides = array<i32>} : memref<4x72x128xf32, #tpu.memory_space<vmem>>, vector<1x1x16xf32>,
        %parallel_loop3A_604 = vector.shape_cast %parallel_loop3A_603 : vector<1x1x16xf32> to vector<16xf32>
        %parallel_loop3A_605 = arith.mulf %parallel_loop3A_566, %parallel_loop3A_604 : vector<16xf32>
        %parallel_loop3A_606 = arith.addf %parallel_loop3A_556, %parallel_loop3A_605 : vector<16xf32>
        %parallel_loop3A_607 = arith.constant 2 : i32
        %parallel_loop3A_608 = arith.index_cast %parallel_loop3A_607 : i32 to index
        %parallel_loop3A_609 = arith.index_cast %parallel_loop3A_551 : i32 to index
        %parallel_loop3A_610 = arith.constant 80 : index
        %parallel_loop3A_611 = tpu.vector_load %arg9[%parallel_loop3A_608, %parallel_loop3A_609, %parallel_loop3A_610] {strides = array<i32>} : memref<4x72x128xf32, #tpu.memory_space<vmem>>, vector<1x1x16xf32>,
        %parallel_loop3A_612 = vector.shape_cast %parallel_loop3A_611 : vector<1x1x16xf32> to vector<16xf32>
        %parallel_loop3A_613 = arith.mulf %parallel_loop3A_566, %parallel_loop3A_612 : vector<16xf32>
        %parallel_loop3A_614 = arith.addf %parallel_loop3A_557, %parallel_loop3A_613 : vector<16xf32>
        %parallel_loop3A_615 = arith.constant 2 : i32
        %parallel_loop3A_616 = arith.index_cast %parallel_loop3A_615 : i32 to index
        %parallel_loop3A_617 = arith.index_cast %parallel_loop3A_551 : i32 to index
        %parallel_loop3A_618 = arith.constant 96 : index
        %parallel_loop3A_619 = tpu.vector_load %arg9[%parallel_loop3A_616, %parallel_loop3A_617, %parallel_loop3A_618] {strides = array<i32>} : memref<4x72x128xf32, #tpu.memory_space<vmem>>, vector<1x1x16xf32>,
        %parallel_loop3A_620 = vector.shape_cast %parallel_loop3A_619 : vector<1x1x16xf32> to vector<16xf32>
        %parallel_loop3A_621 = arith.mulf %parallel_loop3A_566, %parallel_loop3A_620 : vector<16xf32>
        %parallel_loop3A_622 = arith.addf %parallel_loop3A_558, %parallel_loop3A_621 : vector<16xf32>
        %parallel_loop3A_623 = arith.constant 2 : i32
        %parallel_loop3A_624 = arith.index_cast %parallel_loop3A_623 : i32 to index
        %parallel_loop3A_625 = arith.index_cast %parallel_loop3A_551 : i32 to index
        %parallel_loop3A_626 = arith.constant 112 : index
        %parallel_loop3A_627 = tpu.vector_load %arg9[%parallel_loop3A_624, %parallel_loop3A_625, %parallel_loop3A_626] {strides = array<i32>} : memref<4x72x128xf32, #tpu.memory_space<vmem>>, vector<1x1x16xf32>,
        %parallel_loop3A_628 = vector.shape_cast %parallel_loop3A_627 : vector<1x1x16xf32> to vector<16xf32>
        %parallel_loop3A_629 = arith.mulf %parallel_loop3A_566, %parallel_loop3A_628 : vector<16xf32>
        %parallel_loop3A_630 = arith.addf %parallel_loop3A_559, %parallel_loop3A_629 : vector<16xf32>
        scf.yield %parallel_loop3A_574, %parallel_loop3A_582, %parallel_loop3A_590, %parallel_loop3A_598, %parallel_loop3A_606, %parallel_loop3A_614, %parallel_loop3A_622, %parallel_loop3A_630 : vector<16xf32>, vector<16xf32>, vector<16xf32>, vector<16xf32>, vector<16xf32>, vector<16xf32>, vector<16xf32>, vector<16xf32>
      } {sc.loop_unroll_factor = 12 : i64, sc.parallel_access}
      %broadcast_in_dim3A_382 = arith.constant 0.000000e+00 : f32
      %broadcast_in_dim3A_383 = vector.broadcast %broadcast_in_dim3A_382 : f32 to vector<16xf32>
      %max3A_384 = arith.maximumf %parallel_loop3A_381#0, %broadcast_in_dim3A_383 : vector<16xf32>
      %swap3A_385 = arith.index_cast %add3A_330 : i32 to index
      %swap3A_386 = arith.constant 0 : index
      %swap3A_387 = tpu.vector_load %arg10[%swap3A_385, %swap3A_386] {strides = array<i32>} : memref<128x128xf32, #tpu.memory_space<vmem>>, vector<1x16xf32>,
      %swap3A_388 = vector.shape_cast %swap3A_387 : vector<1x16xf32> to vector<16xf32>
      %swap3A_389 = vector.shape_cast %max3A_384 : vector<16xf32> to vector<1x16xf32>
      tpu.vector_store %arg10[%swap3A_385, %swap3A_386], %swap3A_389 {strides = array<i32>} : memref<128x128xf32, #tpu.memory_space<vmem>>, vector<1x16xf32>,
      %max3A_390 = arith.maximumf %parallel_loop3A_381#1, %broadcast_in_dim3A_383 : vector<16xf32>
      %swap3A_391 = arith.index_cast %add3A_330 : i32 to index
      %swap3A_392 = arith.constant 16 : index
      %swap3A_393 = tpu.vector_load %arg10[%swap3A_391, %swap3A_392] {strides = array<i32>} : memref<128x128xf32, #tpu.memory_space<vmem>>, vector<1x16xf32>,
      %swap3A_394 = vector.shape_cast %swap3A_393 : vector<1x16xf32> to vector<16xf32>
      %swap3A_395 = vector.shape_cast %max3A_390 : vector<16xf32> to vector<1x16xf32>
      tpu.vector_store %arg10[%swap3A_391, %swap3A_392], %swap3A_395 {strides = array<i32>} : memref<128x128xf32, #tpu.memory_space<vmem>>, vector<1x16xf32>,
      %max3A_396 = arith.maximumf %parallel_loop3A_381#2, %broadcast_in_dim3A_383 : vector<16xf32>
      %swap3A_397 = arith.index_cast %add3A_330 : i32 to index
      %swap3A_398 = arith.constant 32 : index
      %swap3A_399 = tpu.vector_load %arg10[%swap3A_397, %swap3A_398] {strides = array<i32>} : memref<128x128xf32, #tpu.memory_space<vmem>>, vector<1x16xf32>,
      %swap3A_400 = vector.shape_cast %swap3A_399 : vector<1x16xf32> to vector<16xf32>
      %swap3A_401 = vector.shape_cast %max3A_396 : vector<16xf32> to vector<1x16xf32>
      tpu.vector_store %arg10[%swap3A_397, %swap3A_398], %swap3A_401 {strides = array<i32>} : memref<128x128xf32, #tpu.memory_space<vmem>>, vector<1x16xf32>,
      %max3A_402 = arith.maximumf %parallel_loop3A_381#3, %broadcast_in_dim3A_383 : vector<16xf32>
      %swap3A_403 = arith.index_cast %add3A_330 : i32 to index
      %swap3A_404 = arith.constant 48 : index
      %swap3A_405 = tpu.vector_load %arg10[%swap3A_403, %swap3A_404] {strides = array<i32>} : memref<128x128xf32, #tpu.memory_space<vmem>>, vector<1x16xf32>,
      %swap3A_406 = vector.shape_cast %swap3A_405 : vector<1x16xf32> to vector<16xf32>
      %swap3A_407 = vector.shape_cast %max3A_402 : vector<16xf32> to vector<1x16xf32>
      tpu.vector_store %arg10[%swap3A_403, %swap3A_404], %swap3A_407 {strides = array<i32>} : memref<128x128xf32, #tpu.memory_space<vmem>>, vector<1x16xf32>,
      %max3A_408 = arith.maximumf %parallel_loop3A_381#4, %broadcast_in_dim3A_383 : vector<16xf32>
      %swap3A_409 = arith.index_cast %add3A_330 : i32 to index
      %swap3A_410 = arith.constant 64 : index
      %swap3A_411 = tpu.vector_load %arg10[%swap3A_409, %swap3A_410] {strides = array<i32>} : memref<128x128xf32, #tpu.memory_space<vmem>>, vector<1x16xf32>,
      %swap3A_412 = vector.shape_cast %swap3A_411 : vector<1x16xf32> to vector<16xf32>
      %swap3A_413 = vector.shape_cast %max3A_408 : vector<16xf32> to vector<1x16xf32>
      tpu.vector_store %arg10[%swap3A_409, %swap3A_410], %swap3A_413 {strides = array<i32>} : memref<128x128xf32, #tpu.memory_space<vmem>>, vector<1x16xf32>,
      %max3A_414 = arith.maximumf %parallel_loop3A_381#5, %broadcast_in_dim3A_383 : vector<16xf32>
      %swap3A_415 = arith.index_cast %add3A_330 : i32 to index
      %swap3A_416 = arith.constant 80 : index
      %swap3A_417 = tpu.vector_load %arg10[%swap3A_415, %swap3A_416] {strides = array<i32>} : memref<128x128xf32, #tpu.memory_space<vmem>>, vector<1x16xf32>,
      %swap3A_418 = vector.shape_cast %swap3A_417 : vector<1x16xf32> to vector<16xf32>
      %swap3A_419 = vector.shape_cast %max3A_414 : vector<16xf32> to vector<1x16xf32>
      tpu.vector_store %arg10[%swap3A_415, %swap3A_416], %swap3A_419 {strides = array<i32>} : memref<128x128xf32, #tpu.memory_space<vmem>>, vector<1x16xf32>,
      %max3A_420 = arith.maximumf %parallel_loop3A_381#6, %broadcast_in_dim3A_383 : vector<16xf32>
      %swap3A_421 = arith.index_cast %add3A_330 : i32 to index
      %swap3A_422 = arith.constant 96 : index
      %swap3A_423 = tpu.vector_load %arg10[%swap3A_421, %swap3A_422] {strides = array<i32>} : memref<128x128xf32, #tpu.memory_space<vmem>>, vector<1x16xf32>,
      %swap3A_424 = vector.shape_cast %swap3A_423 : vector<1x16xf32> to vector<16xf32>
      %swap3A_425 = vector.shape_cast %max3A_420 : vector<16xf32> to vector<1x16xf32>
      tpu.vector_store %arg10[%swap3A_421, %swap3A_422], %swap3A_425 {strides = array<i32>} : memref<128x128xf32, #tpu.memory_space<vmem>>, vector<1x16xf32>,
      %max3A_426 = arith.maximumf %parallel_loop3A_381#7, %broadcast_in_dim3A_383 : vector<16xf32>
      %swap3A_427 = arith.index_cast %add3A_330 : i32 to index
      %swap3A_428 = arith.constant 112 : index
      %swap3A_429 = tpu.vector_load %arg10[%swap3A_427, %swap3A_428] {strides = array<i32>} : memref<128x128xf32, #tpu.memory_space<vmem>>, vector<1x16xf32>,
      %swap3A_430 = vector.shape_cast %swap3A_429 : vector<1x16xf32> to vector<16xf32>
      %swap3A_431 = vector.shape_cast %max3A_426 : vector<16xf32> to vector<1x16xf32>
      tpu.vector_store %arg10[%swap3A_427, %swap3A_428], %swap3A_431 {strides = array<i32>} : memref<128x128xf32, #tpu.memory_space<vmem>>, vector<1x16xf32>,
      %add3A_432 = arith.constant 4 : i32
      %add3A_433 = arith.addi %add3A_330, %add3A_432 : i32
      %lt3A_434 = arith.constant 128 : i32
      %lt3A_435 = arith.cmpi slt, %add3A_433, %lt3A_434 : i32
      %convert_element_type3A_436 = arith.extui %lt3A_435 : i1 to i32
      %cond3A_437 = arith.constant 0 : i32
      %cond3A_438 = arith.cmpi ne, %convert_element_type3A_436, %cond3A_437 : i32
      scf.if %cond3A_438 {
        %dma_start3A_551 = arith.constant 2 : i32
        %dma_start3A_552 = arith.constant 0 : i32
        %dma_start3A_553 = arith.constant 0 : i32
        %dma_start3A_554 = tpu.memref_slice %arg9[%dma_start3A_551, %dma_start3A_552, %dma_start3A_553] : memref<4x72x128xf32, #tpu.memory_space<vmem>> -> memref<1x72x128xf32, #tpu.memory_space<vmem>>
        %dma_start3A_555 = tpu.memref_squeeze %dma_start3A_554 : memref<1x72x128xf32, #tpu.memory_space<vmem>> -> memref<72x128xf32, #tpu.memory_space<vmem>>
        %dma_start3A_556 = arith.constant 0 : i32
        %dma_start3A_557 = tpu.memref_slice %arg7[%add3A_433, %dma_start3A_556] : memref<128x72xi32, #tpu.memory_space<vmem>> -> memref<1x72xi32, #tpu.memory_space<vmem>>
        %dma_start3A_558 = tpu.memref_squeeze %dma_start3A_557 : memref<1x72xi32, #tpu.memory_space<vmem>> -> memref<72xi32, #tpu.memory_space<vmem>>
        %dma_start3A_559 = arith.constant 0 : i32
        %dma_start3A_560 = arith.constant 0 : i32
        %dma_start3A_561 = tpu.memref_slice %arg12[%dma_start3A_559, %dma_start3A_560] : memref<4608x128xf32, #tpu.memory_space<vmem_shared>> -> memref<4608x128xf32, #tpu.memory_space<vmem_shared>>
        tpu.enqueue_indirect_dma source(%dma_start3A_561 : memref<4608x128xf32, #tpu.memory_space<vmem_shared>>) target(%dma_start3A_555 : memref<72x128xf32, #tpu.memory_space<vmem>>) offsets(%dma_start3A_558 : memref<72xi32, #tpu.memory_space<vmem>>) semaphore(%arg15 : memref<!tpu.dma_semaphore, #tpu.memory_space<semaphore_mem>>)
        %add3A_562 = arith.addi %mul3A_2, %add3A_433 : i32
        %mul3A_563 = arith.constant 1152 : i32
        %mul3A_564 = arith.muli %add3A_562, %mul3A_563 : i32
        %dma_start3A_565 = arith.constant 2 : i32
        %dma_start3A_566 = arith.constant 0 : i32
        %dma_start3A_567 = tpu.memref_slice %arg8[%dma_start3A_565, %dma_start3A_566] : memref<4x1152xf32, #tpu.memory_space<vmem>> -> memref<1x1152xf32, #tpu.memory_space<vmem>>
        %dma_start3A_568 = tpu.memref_squeeze %dma_start3A_567 : memref<1x1152xf32, #tpu.memory_space<vmem>> -> memref<1152xf32, #tpu.memory_space<vmem>>
        %dma_start3A_569 = tpu.memref_slice %arg4[%mul3A_564] : memref<4718592xf32, #tpu.memory_space<hbm>> -> memref<1152xf32, #tpu.memory_space<hbm>>
        %dma_start3A_570 = arith.constant 0 : i32
        %dma_start3A_571 = tpu.memref_slice %arg8[%dma_start3A_565, %dma_start3A_570] : memref<4x1152xf32, #tpu.memory_space<vmem>> -> memref<1x1152xf32, #tpu.memory_space<vmem>>
        %dma_start3A_572 = tpu.memref_squeeze %dma_start3A_571 : memref<1x1152xf32, #tpu.memory_space<vmem>> -> memref<1152xf32, #tpu.memory_space<vmem>>
        %dma_start3A_573 = tpu.memref_slice %arg4[%mul3A_564] : memref<4718592xf32, #tpu.memory_space<hbm>> -> memref<1152xf32, #tpu.memory_space<hbm>>
        tpu.enqueue_dma source(%dma_start3A_573 : memref<1152xf32, #tpu.memory_space<hbm>>) target(%dma_start3A_572 : memref<1152xf32, #tpu.memory_space<vmem>>) target_semaphore(%arg19 : memref<!tpu.dma_semaphore, #tpu.memory_space<semaphore_mem>>)
      } else {
      }
      %mul3A_439 = arith.constant 4 : i32
      %mul3A_440 = arith.muli %scan3A_109, %mul3A_439 : i32
      %add3A_441 = arith.constant 3 : i32
      %add3A_442 = arith.addi %mul3A_440, %add3A_441 : i32
      %dma_wait3A_443 = arith.constant 3 : i32
      %dma_wait3A_444 = arith.constant 0 : i32
      %dma_wait3A_445 = arith.constant 0 : i32
      %dma_wait3A_446 = tpu.memref_slice %arg9[%dma_wait3A_443, %dma_wait3A_444, %dma_wait3A_445] : memref<4x72x128xf32, #tpu.memory_space<vmem>> -> memref<1x72x128xf32, #tpu.memory_space<vmem>>
      %dma_wait3A_447 = tpu.memref_squeeze %dma_wait3A_446 : memref<1x72x128xf32, #tpu.memory_space<vmem>> -> memref<72x128xf32, #tpu.memory_space<vmem>>
      %dma_wait3A_448 = arith.constant 0 : i32
      %dma_wait3A_449 = tpu.memref_slice %arg7[%add3A_442, %dma_wait3A_448] : memref<128x72xi32, #tpu.memory_space<vmem>> -> memref<1x72xi32, #tpu.memory_space<vmem>>
      %dma_wait3A_450 = tpu.memref_squeeze %dma_wait3A_449 : memref<1x72xi32, #tpu.memory_space<vmem>> -> memref<72xi32, #tpu.memory_space<vmem>>
      %dma_wait3A_451 = arith.constant 0 : i32
      %dma_wait3A_452 = arith.constant 0 : i32
      %dma_wait3A_453 = tpu.memref_slice %arg2[%dma_wait3A_451, %dma_wait3A_452] : memref<4608x128xf32, #tpu.memory_space<hbm>> -> memref<4608x128xf32, #tpu.memory_space<hbm>>
      tpu.wait_indirect_dma semaphore(%arg16 : memref<!tpu.dma_semaphore, #tpu.memory_space<semaphore_mem>>) src(%dma_wait3A_453 : memref<4608x128xf32, #tpu.memory_space<hbm>>) dst(%dma_wait3A_447 : memref<72x128xf32, #tpu.memory_space<vmem>>)
      %add3A_454 = arith.addi %mul3A_2, %add3A_442 : i32
      %mul3A_455 = arith.constant 1152 : i32
      %mul3A_456 = arith.muli %add3A_454, %mul3A_455 : i32
      %dma_wait3A_457 = arith.constant 3 : i32
      %dma_wait3A_458 = arith.constant 0 : i32
      %dma_wait3A_459 = tpu.memref_slice %arg8[%dma_wait3A_457, %dma_wait3A_458] : memref<4x1152xf32, #tpu.memory_space<vmem>> -> memref<1x1152xf32, #tpu.memory_space<vmem>>
      %dma_wait3A_460 = tpu.memref_squeeze %dma_wait3A_459 : memref<1x1152xf32, #tpu.memory_space<vmem>> -> memref<1152xf32, #tpu.memory_space<vmem>>
      %dma_wait3A_461 = tpu.memref_slice %arg4[%mul3A_456] : memref<4718592xf32, #tpu.memory_space<hbm>> -> memref<1152xf32, #tpu.memory_space<hbm>>
      %dma_wait3A_462 = arith.constant 0 : i32
      %dma_wait3A_463 = tpu.memref_slice %arg8[%dma_wait3A_457, %dma_wait3A_462] : memref<4x1152xf32, #tpu.memory_space<vmem>> -> memref<1x1152xf32, #tpu.memory_space<vmem>>
      %dma_wait3A_464 = tpu.memref_squeeze %dma_wait3A_463 : memref<1x1152xf32, #tpu.memory_space<vmem>> -> memref<1152xf32, #tpu.memory_space<vmem>>
      %dma_wait3A_465 = tpu.memref_slice %arg4[%mul3A_456] : memref<4718592xf32, #tpu.memory_space<hbm>> -> memref<1152xf32, #tpu.memory_space<hbm>>
      tpu.wait_dma2 semaphore(%arg20 : memref<!tpu.dma_semaphore, #tpu.memory_space<semaphore_mem>>) src(%dma_wait3A_465 : memref<1152xf32, #tpu.memory_space<hbm>>) dst(%dma_wait3A_464 : memref<1152xf32, #tpu.memory_space<vmem>>)
      %get3A_466 = arith.constant 0 : index
      %get3A_467 = tpu.vector_load %arg11[%get3A_466] {strides = array<i32>} : memref<128xf32, #tpu.memory_space<vmem>>, vector<16xf32>,
      %get3A_468 = vector.shape_cast %get3A_467 : vector<16xf32> to vector<16xf32>
      %get3A_469 = arith.constant 16 : index
      %get3A_470 = tpu.vector_load %arg11[%get3A_469] {strides = array<i32>} : memref<128xf32, #tpu.memory_space<vmem>>, vector<16xf32>,
      %get3A_471 = vector.shape_cast %get3A_470 : vector<16xf32> to vector<16xf32>
      %get3A_472 = arith.constant 32 : index
      %get3A_473 = tpu.vector_load %arg11[%get3A_472] {strides = array<i32>} : memref<128xf32, #tpu.memory_space<vmem>>, vector<16xf32>,
      %get3A_474 = vector.shape_cast %get3A_473 : vector<16xf32> to vector<16xf32>
      %get3A_475 = arith.constant 48 : index
      %get3A_476 = tpu.vector_load %arg11[%get3A_475] {strides = array<i32>} : memref<128xf32, #tpu.memory_space<vmem>>, vector<16xf32>,
      %get3A_477 = vector.shape_cast %get3A_476 : vector<16xf32> to vector<16xf32>
      %get3A_478 = arith.constant 64 : index
      %get3A_479 = tpu.vector_load %arg11[%get3A_478] {strides = array<i32>} : memref<128xf32, #tpu.memory_space<vmem>>, vector<16xf32>,
      %get3A_480 = vector.shape_cast %get3A_479 : vector<16xf32> to vector<16xf32>
      %get3A_481 = arith.constant 80 : index
      %get3A_482 = tpu.vector_load %arg11[%get3A_481] {strides = array<i32>} : memref<128xf32, #tpu.memory_space<vmem>>, vector<16xf32>,
      %get3A_483 = vector.shape_cast %get3A_482 : vector<16xf32> to vector<16xf32>
      %get3A_484 = arith.constant 96 : index
      %get3A_485 = tpu.vector_load %arg11[%get3A_484] {strides = array<i32>} : memref<128xf32, #tpu.memory_space<vmem>>, vector<16xf32>,
      %get3A_486 = vector.shape_cast %get3A_485 : vector<16xf32> to vector<16xf32>
      %get3A_487 = arith.constant 112 : index
      %get3A_488 = tpu.vector_load %arg11[%get3A_487] {strides = array<i32>} : memref<128xf32, #tpu.memory_space<vmem>>, vector<16xf32>,
      %get3A_489 = vector.shape_cast %get3A_488 : vector<16xf32> to vector<16xf32>
      %parallel_loop3A_490 = arith.constant 0 : i32
      %parallel_loop3A_491 = arith.constant 72 : i32
      %parallel_loop3A_492 = arith.constant 1 : i32
      %parallel_loop3A_493:8 = scf.for %parallel_loop3A_551 = %parallel_loop3A_490 to %parallel_loop3A_491 step %parallel_loop3A_492 iter_args(%parallel_loop3A_552 = %get3A_468, %parallel_loop3A_553 = %get3A_471, %parallel_loop3A_554 = %get3A_474, %parallel_loop3A_555 = %get3A_477, %parallel_loop3A_556 = %get3A_480, %parallel_loop3A_557 = %get3A_483, %parallel_loop3A_558 = %get3A_486, %parallel_loop3A_559 = %get3A_489) -> (vector<16xf32>, vector<16xf32>, vector<16xf32>, vector<16xf32>, vector<16xf32>, vector<16xf32>, vector<16xf32>, vector<16xf32>)  : i32 {
        %parallel_loop3A_560 = arith.constant 16 : i32
        %parallel_loop3A_561 = arith.muli %parallel_loop3A_551, %parallel_loop3A_560 : i32
        %parallel_loop3A_562 = arith.constant 3 : i32
        %parallel_loop3A_563 = arith.index_cast %parallel_loop3A_562 : i32 to index
        %parallel_loop3A_564 = arith.index_cast %parallel_loop3A_561 : i32 to index
        %parallel_loop3A_565 = tpu.vector_load %arg8[%parallel_loop3A_563, %parallel_loop3A_564] {strides = array<i32>} : memref<4x1152xf32, #tpu.memory_space<vmem>>, vector<1x16xf32>,
        %parallel_loop3A_566 = vector.shape_cast %parallel_loop3A_565 : vector<1x16xf32> to vector<16xf32>
        %parallel_loop3A_567 = arith.constant 3 : i32
        %parallel_loop3A_568 = arith.index_cast %parallel_loop3A_567 : i32 to index
        %parallel_loop3A_569 = arith.index_cast %parallel_loop3A_551 : i32 to index
        %parallel_loop3A_570 = arith.constant 0 : index
        %parallel_loop3A_571 = tpu.vector_load %arg9[%parallel_loop3A_568, %parallel_loop3A_569, %parallel_loop3A_570] {strides = array<i32>} : memref<4x72x128xf32, #tpu.memory_space<vmem>>, vector<1x1x16xf32>,
        %parallel_loop3A_572 = vector.shape_cast %parallel_loop3A_571 : vector<1x1x16xf32> to vector<16xf32>
        %parallel_loop3A_573 = arith.mulf %parallel_loop3A_566, %parallel_loop3A_572 : vector<16xf32>
        %parallel_loop3A_574 = arith.addf %parallel_loop3A_552, %parallel_loop3A_573 : vector<16xf32>
        %parallel_loop3A_575 = arith.constant 3 : i32
        %parallel_loop3A_576 = arith.index_cast %parallel_loop3A_575 : i32 to index
        %parallel_loop3A_577 = arith.index_cast %parallel_loop3A_551 : i32 to index
        %parallel_loop3A_578 = arith.constant 16 : index
        %parallel_loop3A_579 = tpu.vector_load %arg9[%parallel_loop3A_576, %parallel_loop3A_577, %parallel_loop3A_578] {strides = array<i32>} : memref<4x72x128xf32, #tpu.memory_space<vmem>>, vector<1x1x16xf32>,
        %parallel_loop3A_580 = vector.shape_cast %parallel_loop3A_579 : vector<1x1x16xf32> to vector<16xf32>
        %parallel_loop3A_581 = arith.mulf %parallel_loop3A_566, %parallel_loop3A_580 : vector<16xf32>
        %parallel_loop3A_582 = arith.addf %parallel_loop3A_553, %parallel_loop3A_581 : vector<16xf32>
        %parallel_loop3A_583 = arith.constant 3 : i32
        %parallel_loop3A_584 = arith.index_cast %parallel_loop3A_583 : i32 to index
        %parallel_loop3A_585 = arith.index_cast %parallel_loop3A_551 : i32 to index
        %parallel_loop3A_586 = arith.constant 32 : index
        %parallel_loop3A_587 = tpu.vector_load %arg9[%parallel_loop3A_584, %parallel_loop3A_585, %parallel_loop3A_586] {strides = array<i32>} : memref<4x72x128xf32, #tpu.memory_space<vmem>>, vector<1x1x16xf32>,
        %parallel_loop3A_588 = vector.shape_cast %parallel_loop3A_587 : vector<1x1x16xf32> to vector<16xf32>
        %parallel_loop3A_589 = arith.mulf %parallel_loop3A_566, %parallel_loop3A_588 : vector<16xf32>
        %parallel_loop3A_590 = arith.addf %parallel_loop3A_554, %parallel_loop3A_589 : vector<16xf32>
        %parallel_loop3A_591 = arith.constant 3 : i32
        %parallel_loop3A_592 = arith.index_cast %parallel_loop3A_591 : i32 to index
        %parallel_loop3A_593 = arith.index_cast %parallel_loop3A_551 : i32 to index
        %parallel_loop3A_594 = arith.constant 48 : index
        %parallel_loop3A_595 = tpu.vector_load %arg9[%parallel_loop3A_592, %parallel_loop3A_593, %parallel_loop3A_594] {strides = array<i32>} : memref<4x72x128xf32, #tpu.memory_space<vmem>>, vector<1x1x16xf32>,
        %parallel_loop3A_596 = vector.shape_cast %parallel_loop3A_595 : vector<1x1x16xf32> to vector<16xf32>
        %parallel_loop3A_597 = arith.mulf %parallel_loop3A_566, %parallel_loop3A_596 : vector<16xf32>
        %parallel_loop3A_598 = arith.addf %parallel_loop3A_555, %parallel_loop3A_597 : vector<16xf32>
        %parallel_loop3A_599 = arith.constant 3 : i32
        %parallel_loop3A_600 = arith.index_cast %parallel_loop3A_599 : i32 to index
        %parallel_loop3A_601 = arith.index_cast %parallel_loop3A_551 : i32 to index
        %parallel_loop3A_602 = arith.constant 64 : index
        %parallel_loop3A_603 = tpu.vector_load %arg9[%parallel_loop3A_600, %parallel_loop3A_601, %parallel_loop3A_602] {strides = array<i32>} : memref<4x72x128xf32, #tpu.memory_space<vmem>>, vector<1x1x16xf32>,
        %parallel_loop3A_604 = vector.shape_cast %parallel_loop3A_603 : vector<1x1x16xf32> to vector<16xf32>
        %parallel_loop3A_605 = arith.mulf %parallel_loop3A_566, %parallel_loop3A_604 : vector<16xf32>
        %parallel_loop3A_606 = arith.addf %parallel_loop3A_556, %parallel_loop3A_605 : vector<16xf32>
        %parallel_loop3A_607 = arith.constant 3 : i32
        %parallel_loop3A_608 = arith.index_cast %parallel_loop3A_607 : i32 to index
        %parallel_loop3A_609 = arith.index_cast %parallel_loop3A_551 : i32 to index
        %parallel_loop3A_610 = arith.constant 80 : index
        %parallel_loop3A_611 = tpu.vector_load %arg9[%parallel_loop3A_608, %parallel_loop3A_609, %parallel_loop3A_610] {strides = array<i32>} : memref<4x72x128xf32, #tpu.memory_space<vmem>>, vector<1x1x16xf32>,
        %parallel_loop3A_612 = vector.shape_cast %parallel_loop3A_611 : vector<1x1x16xf32> to vector<16xf32>
        %parallel_loop3A_613 = arith.mulf %parallel_loop3A_566, %parallel_loop3A_612 : vector<16xf32>
        %parallel_loop3A_614 = arith.addf %parallel_loop3A_557, %parallel_loop3A_613 : vector<16xf32>
        %parallel_loop3A_615 = arith.constant 3 : i32
        %parallel_loop3A_616 = arith.index_cast %parallel_loop3A_615 : i32 to index
        %parallel_loop3A_617 = arith.index_cast %parallel_loop3A_551 : i32 to index
        %parallel_loop3A_618 = arith.constant 96 : index
        %parallel_loop3A_619 = tpu.vector_load %arg9[%parallel_loop3A_616, %parallel_loop3A_617, %parallel_loop3A_618] {strides = array<i32>} : memref<4x72x128xf32, #tpu.memory_space<vmem>>, vector<1x1x16xf32>,
        %parallel_loop3A_620 = vector.shape_cast %parallel_loop3A_619 : vector<1x1x16xf32> to vector<16xf32>
        %parallel_loop3A_621 = arith.mulf %parallel_loop3A_566, %parallel_loop3A_620 : vector<16xf32>
        %parallel_loop3A_622 = arith.addf %parallel_loop3A_558, %parallel_loop3A_621 : vector<16xf32>
        %parallel_loop3A_623 = arith.constant 3 : i32
        %parallel_loop3A_624 = arith.index_cast %parallel_loop3A_623 : i32 to index
        %parallel_loop3A_625 = arith.index_cast %parallel_loop3A_551 : i32 to index
        %parallel_loop3A_626 = arith.constant 112 : index
        %parallel_loop3A_627 = tpu.vector_load %arg9[%parallel_loop3A_624, %parallel_loop3A_625, %parallel_loop3A_626] {strides = array<i32>} : memref<4x72x128xf32, #tpu.memory_space<vmem>>, vector<1x1x16xf32>,
        %parallel_loop3A_628 = vector.shape_cast %parallel_loop3A_627 : vector<1x1x16xf32> to vector<16xf32>
        %parallel_loop3A_629 = arith.mulf %parallel_loop3A_566, %parallel_loop3A_628 : vector<16xf32>
        %parallel_loop3A_630 = arith.addf %parallel_loop3A_559, %parallel_loop3A_629 : vector<16xf32>
        scf.yield %parallel_loop3A_574, %parallel_loop3A_582, %parallel_loop3A_590, %parallel_loop3A_598, %parallel_loop3A_606, %parallel_loop3A_614, %parallel_loop3A_622, %parallel_loop3A_630 : vector<16xf32>, vector<16xf32>, vector<16xf32>, vector<16xf32>, vector<16xf32>, vector<16xf32>, vector<16xf32>, vector<16xf32>
      } {sc.loop_unroll_factor = 12 : i64, sc.parallel_access}
      %broadcast_in_dim3A_494 = arith.constant 0.000000e+00 : f32
      %broadcast_in_dim3A_495 = vector.broadcast %broadcast_in_dim3A_494 : f32 to vector<16xf32>
      %max3A_496 = arith.maximumf %parallel_loop3A_493#0, %broadcast_in_dim3A_495 : vector<16xf32>
      %swap3A_497 = arith.index_cast %add3A_442 : i32 to index
      %swap3A_498 = arith.constant 0 : index
      %swap3A_499 = tpu.vector_load %arg10[%swap3A_497, %swap3A_498] {strides = array<i32>} : memref<128x128xf32, #tpu.memory_space<vmem>>, vector<1x16xf32>,
      %swap3A_500 = vector.shape_cast %swap3A_499 : vector<1x16xf32> to vector<16xf32>
      %swap3A_501 = vector.shape_cast %max3A_496 : vector<16xf32> to vector<1x16xf32>
      tpu.vector_store %arg10[%swap3A_497, %swap3A_498], %swap3A_501 {strides = array<i32>} : memref<128x128xf32, #tpu.memory_space<vmem>>, vector<1x16xf32>,
      %max3A_502 = arith.maximumf %parallel_loop3A_493#1, %broadcast_in_dim3A_495 : vector<16xf32>
      %swap3A_503 = arith.index_cast %add3A_442 : i32 to index
      %swap3A_504 = arith.constant 16 : index
      %swap3A_505 = tpu.vector_load %arg10[%swap3A_503, %swap3A_504] {strides = array<i32>} : memref<128x128xf32, #tpu.memory_space<vmem>>, vector<1x16xf32>,
      %swap3A_506 = vector.shape_cast %swap3A_505 : vector<1x16xf32> to vector<16xf32>
      %swap3A_507 = vector.shape_cast %max3A_502 : vector<16xf32> to vector<1x16xf32>
      tpu.vector_store %arg10[%swap3A_503, %swap3A_504], %swap3A_507 {strides = array<i32>} : memref<128x128xf32, #tpu.memory_space<vmem>>, vector<1x16xf32>,
      %max3A_508 = arith.maximumf %parallel_loop3A_493#2, %broadcast_in_dim3A_495 : vector<16xf32>
      %swap3A_509 = arith.index_cast %add3A_442 : i32 to index
      %swap3A_510 = arith.constant 32 : index
      %swap3A_511 = tpu.vector_load %arg10[%swap3A_509, %swap3A_510] {strides = array<i32>} : memref<128x128xf32, #tpu.memory_space<vmem>>, vector<1x16xf32>,
      %swap3A_512 = vector.shape_cast %swap3A_511 : vector<1x16xf32> to vector<16xf32>
      %swap3A_513 = vector.shape_cast %max3A_508 : vector<16xf32> to vector<1x16xf32>
      tpu.vector_store %arg10[%swap3A_509, %swap3A_510], %swap3A_513 {strides = array<i32>} : memref<128x128xf32, #tpu.memory_space<vmem>>, vector<1x16xf32>,
      %max3A_514 = arith.maximumf %parallel_loop3A_493#3, %broadcast_in_dim3A_495 : vector<16xf32>
      %swap3A_515 = arith.index_cast %add3A_442 : i32 to index
      %swap3A_516 = arith.constant 48 : index
      %swap3A_517 = tpu.vector_load %arg10[%swap3A_515, %swap3A_516] {strides = array<i32>} : memref<128x128xf32, #tpu.memory_space<vmem>>, vector<1x16xf32>,
      %swap3A_518 = vector.shape_cast %swap3A_517 : vector<1x16xf32> to vector<16xf32>
      %swap3A_519 = vector.shape_cast %max3A_514 : vector<16xf32> to vector<1x16xf32>
      tpu.vector_store %arg10[%swap3A_515, %swap3A_516], %swap3A_519 {strides = array<i32>} : memref<128x128xf32, #tpu.memory_space<vmem>>, vector<1x16xf32>,
      %max3A_520 = arith.maximumf %parallel_loop3A_493#4, %broadcast_in_dim3A_495 : vector<16xf32>
      %swap3A_521 = arith.index_cast %add3A_442 : i32 to index
      %swap3A_522 = arith.constant 64 : index
      %swap3A_523 = tpu.vector_load %arg10[%swap3A_521, %swap3A_522] {strides = array<i32>} : memref<128x128xf32, #tpu.memory_space<vmem>>, vector<1x16xf32>,
      %swap3A_524 = vector.shape_cast %swap3A_523 : vector<1x16xf32> to vector<16xf32>
      %swap3A_525 = vector.shape_cast %max3A_520 : vector<16xf32> to vector<1x16xf32>
      tpu.vector_store %arg10[%swap3A_521, %swap3A_522], %swap3A_525 {strides = array<i32>} : memref<128x128xf32, #tpu.memory_space<vmem>>, vector<1x16xf32>,
      %max3A_526 = arith.maximumf %parallel_loop3A_493#5, %broadcast_in_dim3A_495 : vector<16xf32>
      %swap3A_527 = arith.index_cast %add3A_442 : i32 to index
      %swap3A_528 = arith.constant 80 : index
      %swap3A_529 = tpu.vector_load %arg10[%swap3A_527, %swap3A_528] {strides = array<i32>} : memref<128x128xf32, #tpu.memory_space<vmem>>, vector<1x16xf32>,
      %swap3A_530 = vector.shape_cast %swap3A_529 : vector<1x16xf32> to vector<16xf32>
      %swap3A_531 = vector.shape_cast %max3A_526 : vector<16xf32> to vector<1x16xf32>
      tpu.vector_store %arg10[%swap3A_527, %swap3A_528], %swap3A_531 {strides = array<i32>} : memref<128x128xf32, #tpu.memory_space<vmem>>, vector<1x16xf32>,
      %max3A_532 = arith.maximumf %parallel_loop3A_493#6, %broadcast_in_dim3A_495 : vector<16xf32>
      %swap3A_533 = arith.index_cast %add3A_442 : i32 to index
      %swap3A_534 = arith.constant 96 : index
      %swap3A_535 = tpu.vector_load %arg10[%swap3A_533, %swap3A_534] {strides = array<i32>} : memref<128x128xf32, #tpu.memory_space<vmem>>, vector<1x16xf32>,
      %swap3A_536 = vector.shape_cast %swap3A_535 : vector<1x16xf32> to vector<16xf32>
      %swap3A_537 = vector.shape_cast %max3A_532 : vector<16xf32> to vector<1x16xf32>
      tpu.vector_store %arg10[%swap3A_533, %swap3A_534], %swap3A_537 {strides = array<i32>} : memref<128x128xf32, #tpu.memory_space<vmem>>, vector<1x16xf32>,
      %max3A_538 = arith.maximumf %parallel_loop3A_493#7, %broadcast_in_dim3A_495 : vector<16xf32>
      %swap3A_539 = arith.index_cast %add3A_442 : i32 to index
      %swap3A_540 = arith.constant 112 : index
      %swap3A_541 = tpu.vector_load %arg10[%swap3A_539, %swap3A_540] {strides = array<i32>} : memref<128x128xf32, #tpu.memory_space<vmem>>, vector<1x16xf32>,
      %swap3A_542 = vector.shape_cast %swap3A_541 : vector<1x16xf32> to vector<16xf32>
      %swap3A_543 = vector.shape_cast %max3A_538 : vector<16xf32> to vector<1x16xf32>
      tpu.vector_store %arg10[%swap3A_539, %swap3A_540], %swap3A_543 {strides = array<i32>} : memref<128x128xf32, #tpu.memory_space<vmem>>, vector<1x16xf32>,
      %add3A_544 = arith.constant 4 : i32
      %add3A_545 = arith.addi %add3A_442, %add3A_544 : i32
      %lt3A_546 = arith.constant 128 : i32
      %lt3A_547 = arith.cmpi slt, %add3A_545, %lt3A_546 : i32
      %convert_element_type3A_548 = arith.extui %lt3A_547 : i1 to i32
      %cond3A_549 = arith.constant 0 : i32
      %cond3A_550 = arith.cmpi ne, %convert_element_type3A_548, %cond3A_549 : i32
      scf.if %cond3A_550 {
        %dma_start3A_551 = arith.constant 3 : i32
        %dma_start3A_552 = arith.constant 0 : i32
        %dma_start3A_553 = arith.constant 0 : i32
        %dma_start3A_554 = tpu.memref_slice %arg9[%dma_start3A_551, %dma_start3A_552, %dma_start3A_553] : memref<4x72x128xf32, #tpu.memory_space<vmem>> -> memref<1x72x128xf32, #tpu.memory_space<vmem>>
        %dma_start3A_555 = tpu.memref_squeeze %dma_start3A_554 : memref<1x72x128xf32, #tpu.memory_space<vmem>> -> memref<72x128xf32, #tpu.memory_space<vmem>>
        %dma_start3A_556 = arith.constant 0 : i32
        %dma_start3A_557 = tpu.memref_slice %arg7[%add3A_545, %dma_start3A_556] : memref<128x72xi32, #tpu.memory_space<vmem>> -> memref<1x72xi32, #tpu.memory_space<vmem>>
        %dma_start3A_558 = tpu.memref_squeeze %dma_start3A_557 : memref<1x72xi32, #tpu.memory_space<vmem>> -> memref<72xi32, #tpu.memory_space<vmem>>
        %dma_start3A_559 = arith.constant 0 : i32
        %dma_start3A_560 = arith.constant 0 : i32
        %dma_start3A_561 = tpu.memref_slice %arg12[%dma_start3A_559, %dma_start3A_560] : memref<4608x128xf32, #tpu.memory_space<vmem_shared>> -> memref<4608x128xf32, #tpu.memory_space<vmem_shared>>
        tpu.enqueue_indirect_dma source(%dma_start3A_561 : memref<4608x128xf32, #tpu.memory_space<vmem_shared>>) target(%dma_start3A_555 : memref<72x128xf32, #tpu.memory_space<vmem>>) offsets(%dma_start3A_558 : memref<72xi32, #tpu.memory_space<vmem>>) semaphore(%arg16 : memref<!tpu.dma_semaphore, #tpu.memory_space<semaphore_mem>>)
        %add3A_562 = arith.addi %mul3A_2, %add3A_545 : i32
        %mul3A_563 = arith.constant 1152 : i32
        %mul3A_564 = arith.muli %add3A_562, %mul3A_563 : i32
        %dma_start3A_565 = arith.constant 3 : i32
        %dma_start3A_566 = arith.constant 0 : i32
        %dma_start3A_567 = tpu.memref_slice %arg8[%dma_start3A_565, %dma_start3A_566] : memref<4x1152xf32, #tpu.memory_space<vmem>> -> memref<1x1152xf32, #tpu.memory_space<vmem>>
        %dma_start3A_568 = tpu.memref_squeeze %dma_start3A_567 : memref<1x1152xf32, #tpu.memory_space<vmem>> -> memref<1152xf32, #tpu.memory_space<vmem>>
        %dma_start3A_569 = tpu.memref_slice %arg4[%mul3A_564] : memref<4718592xf32, #tpu.memory_space<hbm>> -> memref<1152xf32, #tpu.memory_space<hbm>>
        %dma_start3A_570 = arith.constant 0 : i32
        %dma_start3A_571 = tpu.memref_slice %arg8[%dma_start3A_565, %dma_start3A_570] : memref<4x1152xf32, #tpu.memory_space<vmem>> -> memref<1x1152xf32, #tpu.memory_space<vmem>>
        %dma_start3A_572 = tpu.memref_squeeze %dma_start3A_571 : memref<1x1152xf32, #tpu.memory_space<vmem>> -> memref<1152xf32, #tpu.memory_space<vmem>>
        %dma_start3A_573 = tpu.memref_slice %arg4[%mul3A_564] : memref<4718592xf32, #tpu.memory_space<hbm>> -> memref<1152xf32, #tpu.memory_space<hbm>>
        tpu.enqueue_dma source(%dma_start3A_573 : memref<1152xf32, #tpu.memory_space<hbm>>) target(%dma_start3A_572 : memref<1152xf32, #tpu.memory_space<vmem>>) target_semaphore(%arg20 : memref<!tpu.dma_semaphore, #tpu.memory_space<semaphore_mem>>)
      } else {
      }
    }
    %scan3A_108 = arith.constant 32 : i32
    "tpu.region"() ({
      %run_scoped3A = tpu.sem_alloc : memref<!tpu.dma_semaphore, #tpu.memory_space<semaphore_mem>>
      %dma_start3A_109 = arith.constant 0 : i32
      %dma_start3A_110 = tpu.memref_slice %arg6[%mul3A_2, %dma_start3A_109] : memref<4096x128xf32, #tpu.memory_space<hbm>> -> memref<128x128xf32, #tpu.memory_space<hbm>>
      %dma_start3A_111 = arith.constant 0 : i32
      %dma_start3A_112 = tpu.memref_slice %arg6[%mul3A_2, %dma_start3A_111] : memref<4096x128xf32, #tpu.memory_space<hbm>> -> memref<128x128xf32, #tpu.memory_space<hbm>>
      tpu.enqueue_dma source(%arg10 : memref<128x128xf32, #tpu.memory_space<vmem>>) target(%dma_start3A_112 : memref<128x128xf32, #tpu.memory_space<hbm>>) target_semaphore(%run_scoped3A : memref<!tpu.dma_semaphore, #tpu.memory_space<semaphore_mem>>)
      %dma_wait3A = arith.constant 0 : i32
      %dma_wait3A_113 = tpu.memref_slice %arg6[%mul3A_2, %dma_wait3A] : memref<4096x128xf32, #tpu.memory_space<hbm>> -> memref<128x128xf32, #tpu.memory_space<hbm>>
      %dma_wait3A_114 = arith.constant 0 : i32
      %dma_wait3A_115 = tpu.memref_slice %arg6[%mul3A_2, %dma_wait3A_114] : memref<4096x128xf32, #tpu.memory_space<hbm>> -> memref<128x128xf32, #tpu.memory_space<hbm>>
      tpu.wait_dma2 semaphore(%run_scoped3A : memref<!tpu.dma_semaphore, #tpu.memory_space<semaphore_mem>>) src(%arg10 : memref<128x128xf32, #tpu.memory_space<vmem>>) dst(%dma_wait3A_115 : memref<128x128xf32, #tpu.memory_space<hbm>>)
      tpu.yield
    }) : () -> ()
    return
  }
}

module attributes {stable_mosaic.version = 14 : i64} {
  func.func @_tc_body(%arg0: memref<128x256xf32, #tpu.memory_space<vmem>>, %arg1: memref<256x128xf32, #tpu.memory_space<vmem>>, %arg2: memref<1x128xf32, #tpu.memory_space<vmem>>, %arg3: memref<128x128xf32, #tpu.memory_space<vmem>>, %arg4: memref<128x128xf32, #tpu.memory_space<vmem>>, %arg5: memref<128x128xf32, #tpu.memory_space<vmem>>, %arg6: memref<1x128xf32, #tpu.memory_space<vmem>>, %arg7: memref<128x256xf32, #tpu.memory_space<vmem>>, %arg8: memref<1x256xf32, #tpu.memory_space<vmem>>, %arg9: memref<256x128xf32, #tpu.memory_space<vmem>>, %arg10: memref<256x128xf32, #tpu.memory_space<vmem>>, %arg11: memref<1x128xf32, #tpu.memory_space<vmem>>, %arg12: memref<128x128xf32, #tpu.memory_space<vmem>>, %arg13: memref<1x128xf32, #tpu.memory_space<vmem>>, %arg14: memref<128x256xf32, #tpu.memory_space<vmem>>, %arg15: memref<1x256xf32, #tpu.memory_space<vmem>>, %arg16: memref<256x4096xf32, #tpu.memory_space<vmem>>, %arg17: memref<256x512xf32, #tpu.memory_space<vmem>>, %arg18: memref<128x4608xf32, #tpu.memory_space<vmem>>) attributes {dimension_semantics = [], scalar_prefetch = 0 : i64, scratch_operands = 0 : i64, tpu.core_type = #tpu.core_type<tc>} {
    %get3A = arith.constant 0 : index
    %get3A_0 = arith.constant 0 : index
    %get3A_1 = vector.load %arg0[%get3A, %get3A_0] : memref<128x256xf32, #tpu.memory_space<vmem>>, vector<128x256xf32>
    %get3A_2 = arith.constant 0 : index
    %get3A_3 = arith.constant 0 : index
    %get3A_4 = vector.load %arg1[%get3A_2, %get3A_3] : memref<256x128xf32, #tpu.memory_space<vmem>>, vector<256x128xf32>
    %dot_general3A = arith.constant dense<0.000000e+00> : vector<128x128xf32>
    %dot_general3A_5 = tpu.matmul %get3A_1, %get3A_4, %dot_general3A {dimension_numbers = #tpu.dot_dimension_numbers<[1], [0], [0], [1], [0, 0, 1, 1], [], []>, transpose_lhs_hint = false} : vector<128x256xf32>, vector<256x128xf32>, vector<128x128xf32> -> vector<128x128xf32>
    %get3A_6 = arith.constant 0 : index
    %get3A_7 = arith.constant 0 : index
    %get3A_8 = vector.load %arg2[%get3A_6, %get3A_7] : memref<1x128xf32, #tpu.memory_space<vmem>>, vector<1x128xf32>
    %add3A = vector.broadcast %get3A_8 : vector<1x128xf32> to vector<128x128xf32>
    %add3A_9 = arith.addf %dot_general3A_5, %add3A : vector<128x128xf32>
    %max3A = arith.constant 0.000000e+00 : f32
    %max3A_10 = vector.broadcast %max3A : f32 to vector<128x128xf32>
    %max3A_11 = arith.maximumf %add3A_9, %max3A_10 : vector<128x128xf32>
    %broadcast_in_dim3A = arith.constant 0.000000e+00 : f32
    %broadcast_in_dim3A_12 = vector.broadcast %broadcast_in_dim3A : f32 to vector<1x128xf32>
    %slice3A = vector.extract_strided_slice %max3A_11 {offsets = [0, 0], sizes = [127, 128], strides = [1, 1]} : vector<128x128xf32> to vector<127x128xf32>
    %concatenate3A = tpu.concatenate %broadcast_in_dim3A_12, %slice3A in 0 : vector<1x128xf32>, vector<127x128xf32> -> vector<128x128xf32>
    %slice3A_13 = vector.extract_strided_slice %max3A_11 {offsets = [1, 0], sizes = [127, 128], strides = [1, 1]} : vector<128x128xf32> to vector<127x128xf32>
    %concatenate3A_14 = tpu.concatenate %slice3A_13, %broadcast_in_dim3A_12 in 0 : vector<127x128xf32>, vector<1x128xf32> -> vector<128x128xf32>
    %get3A_15 = arith.constant 0 : index
    %get3A_16 = arith.constant 0 : index
    %get3A_17 = vector.load %arg3[%get3A_15, %get3A_16] : memref<128x128xf32, #tpu.memory_space<vmem>>, vector<128x128xf32>
    %dot_general3A_18 = arith.constant dense<0.000000e+00> : vector<128x128xf32>
    %dot_general3A_19 = tpu.matmul %concatenate3A, %get3A_17, %dot_general3A_18 {dimension_numbers = #tpu.dot_dimension_numbers<[1], [0], [0], [1], [0, 0, 1, 1], [], []>, transpose_lhs_hint = false} : vector<128x128xf32>, vector<128x128xf32>, vector<128x128xf32> -> vector<128x128xf32>
    %get3A_20 = arith.constant 0 : index
    %get3A_21 = arith.constant 0 : index
    %get3A_22 = vector.load %arg4[%get3A_20, %get3A_21] : memref<128x128xf32, #tpu.memory_space<vmem>>, vector<128x128xf32>
    %dot_general3A_23 = arith.constant dense<0.000000e+00> : vector<128x128xf32>
    %dot_general3A_24 = tpu.matmul %max3A_11, %get3A_22, %dot_general3A_23 {dimension_numbers = #tpu.dot_dimension_numbers<[1], [0], [0], [1], [0, 0, 1, 1], [], []>, transpose_lhs_hint = false} : vector<128x128xf32>, vector<128x128xf32>, vector<128x128xf32> -> vector<128x128xf32>
    %add3A_25 = arith.addf %dot_general3A_19, %dot_general3A_24 : vector<128x128xf32>
    %get3A_26 = arith.constant 0 : index
    %get3A_27 = arith.constant 0 : index
    %get3A_28 = vector.load %arg5[%get3A_26, %get3A_27] : memref<128x128xf32, #tpu.memory_space<vmem>>, vector<128x128xf32>
    %dot_general3A_29 = arith.constant dense<0.000000e+00> : vector<128x128xf32>
    %dot_general3A_30 = tpu.matmul %concatenate3A_14, %get3A_28, %dot_general3A_29 {dimension_numbers = #tpu.dot_dimension_numbers<[1], [0], [0], [1], [0, 0, 1, 1], [], []>, transpose_lhs_hint = false} : vector<128x128xf32>, vector<128x128xf32>, vector<128x128xf32> -> vector<128x128xf32>
    %add3A_31 = arith.addf %add3A_25, %dot_general3A_30 : vector<128x128xf32>
    %get3A_32 = arith.constant 0 : index
    %get3A_33 = arith.constant 0 : index
    %get3A_34 = vector.load %arg6[%get3A_32, %get3A_33] : memref<1x128xf32, #tpu.memory_space<vmem>>, vector<1x128xf32>
    %add3A_35 = vector.broadcast %get3A_34 : vector<1x128xf32> to vector<128x128xf32>
    %add3A_36 = arith.addf %add3A_31, %add3A_35 : vector<128x128xf32>
    %max3A_37 = arith.constant 0.000000e+00 : f32
    %max3A_38 = vector.broadcast %max3A_37 : f32 to vector<128x128xf32>
    %max3A_39 = arith.maximumf %add3A_36, %max3A_38 : vector<128x128xf32>
    %get3A_40 = arith.constant 0 : index
    %get3A_41 = arith.constant 0 : index
    %get3A_42 = vector.load %arg7[%get3A_40, %get3A_41] : memref<128x256xf32, #tpu.memory_space<vmem>>, vector<128x256xf32>
    %dot_general3A_43 = arith.constant dense<0.000000e+00> : vector<128x256xf32>
    %dot_general3A_44 = tpu.matmul %max3A_39, %get3A_42, %dot_general3A_43 {dimension_numbers = #tpu.dot_dimension_numbers<[1], [0], [0], [1], [0, 0, 1, 1], [], []>, transpose_lhs_hint = false} : vector<128x128xf32>, vector<128x256xf32>, vector<128x256xf32> -> vector<128x256xf32>
    %get3A_45 = arith.constant 0 : index
    %get3A_46 = arith.constant 0 : index
    %get3A_47 = vector.load %arg8[%get3A_45, %get3A_46] : memref<1x256xf32, #tpu.memory_space<vmem>>, vector<1x256xf32>
    %add3A_48 = vector.broadcast %get3A_47 : vector<1x256xf32> to vector<128x256xf32>
    %add3A_49 = arith.addf %dot_general3A_44, %add3A_48 : vector<128x256xf32>
    %transpose3A = tpu.transpose %get3A_1, [1, 0] : vector<128x256xf32> -> vector<256x128xf32>
    %dot_general3A_50 = arith.constant dense<0.000000e+00> : vector<128x128xf32>
    %dot_general3A_51 = tpu.matmul %get3A_1, %transpose3A, %dot_general3A_50 {dimension_numbers = #tpu.dot_dimension_numbers<[1], [0], [0], [1], [0, 0, 1, 1], [], []>, transpose_lhs_hint = false} : vector<128x256xf32>, vector<256x128xf32>, vector<128x128xf32> -> vector<128x128xf32>
    %mul3A = arith.mulf %get3A_1, %get3A_1 : vector<128x256xf32>
    %reduce_sum3A = arith.constant dense<0.000000e+00> : vector<128xf32>
    %reduce_sum3A_52 = vector.multi_reduction <add>, %mul3A, %reduce_sum3A [1] : vector<128x256xf32> to vector<128xf32>
    %mul3A_53 = arith.constant 2.000000e+00 : f32
    %mul3A_54 = vector.broadcast %mul3A_53 : f32 to vector<128x128xf32>
    %mul3A_55 = arith.mulf %mul3A_54, %dot_general3A_51 : vector<128x128xf32>
    %broadcast_in_dim3A_56 = vector.shape_cast %reduce_sum3A_52 : vector<128xf32> to vector<1x128xf32>
    %sub3A = vector.broadcast %broadcast_in_dim3A_56 : vector<1x128xf32> to vector<128x128xf32>
    %sub3A_57 = arith.subf %mul3A_55, %sub3A : vector<128x128xf32>
    %broadcast_in_dim3A_58 = vector.shape_cast %reduce_sum3A_52 : vector<128xf32> to vector<128x1xf32>
    %sub3A_59 = vector.broadcast %broadcast_in_dim3A_58 : vector<128x1xf32> to vector<128x128xf32>
    %sub3A_60 = arith.subf %sub3A_57, %sub3A_59 : vector<128x128xf32>
    %iota3A = tpu.iota {dimensions = array<i32: 1>} : vector<128x128xi32>
    %reduce_max3A = arith.constant dense<0xFF800000> : vector<128xf32>
    %reduce_max3A_61 = vector.multi_reduction <maximumf>, %sub3A_60, %reduce_max3A [1] : vector<128x128xf32> to vector<128xf32>
    %broadcast_in_dim3A_62 = vector.shape_cast %reduce_max3A_61 : vector<128xf32> to vector<128x1xf32>
    %eq3A = vector.broadcast %broadcast_in_dim3A_62 : vector<128x1xf32> to vector<128x128xf32>
    %eq3A_63 = arith.cmpf oeq, %sub3A_60, %eq3A : vector<128x128xf32>
    %jit3A = arith.constant 128 : i32
    %broadcast_in_dim3A_64 = vector.broadcast %jit3A : i32 to vector<128x128xi32>
    %select_n3A = arith.select %eq3A_63, %iota3A, %broadcast_in_dim3A_64 : vector<128x128xi1>, vector<128x128xi32>
    %reduce_min3A = arith.constant dense<2147483647> : vector<128xi32>
    %reduce_min3A_65 = vector.multi_reduction <minsi>, %select_n3A, %reduce_min3A [1] : vector<128x128xi32> to vector<128xi32>
    %broadcast_in_dim3A_66 = vector.shape_cast %reduce_min3A_65 : vector<128xi32> to vector<128x1xi32>
    %eq3A_67 = vector.broadcast %broadcast_in_dim3A_66 : vector<128x1xi32> to vector<128x128xi32>
    %eq3A_68 = arith.cmpi eq, %iota3A, %eq3A_67 : vector<128x128xi32>
    %convert_element_type3A = arith.extui %eq3A_68 : vector<128x128xi1> to vector<128x128xi32>
    %convert_element_type3A_69 = arith.sitofp %convert_element_type3A : vector<128x128xi32> to vector<128x128xf32>
    %jit3A_70 = arith.constant 0xFF800000 : f32
    %broadcast_in_dim3A_71 = vector.broadcast %jit3A_70 : f32 to vector<128x128xf32>
    %select_n3A_72 = arith.select %eq3A_68, %broadcast_in_dim3A_71, %sub3A_60 : vector<128x128xi1>, vector<128x128xf32>
    %reduce_max3A_73 = arith.constant dense<0xFF800000> : vector<128xf32>
    %reduce_max3A_74 = vector.multi_reduction <maximumf>, %select_n3A_72, %reduce_max3A_73 [1] : vector<128x128xf32> to vector<128xf32>
    %broadcast_in_dim3A_75 = vector.shape_cast %reduce_max3A_74 : vector<128xf32> to vector<128x1xf32>
    %eq3A_76 = vector.broadcast %broadcast_in_dim3A_75 : vector<128x1xf32> to vector<128x128xf32>
    %eq3A_77 = arith.cmpf oeq, %select_n3A_72, %eq3A_76 : vector<128x128xf32>
    %jit3A_78 = arith.constant 128 : i32
    %broadcast_in_dim3A_79 = vector.broadcast %jit3A_78 : i32 to vector<128x128xi32>
    %select_n3A_80 = arith.select %eq3A_77, %iota3A, %broadcast_in_dim3A_79 : vector<128x128xi1>, vector<128x128xi32>
    %reduce_min3A_81 = arith.constant dense<2147483647> : vector<128xi32>
    %reduce_min3A_82 = vector.multi_reduction <minsi>, %select_n3A_80, %reduce_min3A_81 [1] : vector<128x128xi32> to vector<128xi32>
    %broadcast_in_dim3A_83 = vector.shape_cast %reduce_min3A_82 : vector<128xi32> to vector<128x1xi32>
    %eq3A_84 = vector.broadcast %broadcast_in_dim3A_83 : vector<128x1xi32> to vector<128x128xi32>
    %eq3A_85 = arith.cmpi eq, %iota3A, %eq3A_84 : vector<128x128xi32>
    %convert_element_type3A_86 = arith.extui %eq3A_85 : vector<128x128xi1> to vector<128x128xi32>
    %convert_element_type3A_87 = arith.sitofp %convert_element_type3A_86 : vector<128x128xi32> to vector<128x128xf32>
    %jit3A_88 = arith.constant 0xFF800000 : f32
    %broadcast_in_dim3A_89 = vector.broadcast %jit3A_88 : f32 to vector<128x128xf32>
    %select_n3A_90 = arith.select %eq3A_85, %broadcast_in_dim3A_89, %select_n3A_72 : vector<128x128xi1>, vector<128x128xf32>
    %reduce_max3A_91 = arith.constant dense<0xFF800000> : vector<128xf32>
    %reduce_max3A_92 = vector.multi_reduction <maximumf>, %select_n3A_90, %reduce_max3A_91 [1] : vector<128x128xf32> to vector<128xf32>
    %broadcast_in_dim3A_93 = vector.shape_cast %reduce_max3A_92 : vector<128xf32> to vector<128x1xf32>
    %eq3A_94 = vector.broadcast %broadcast_in_dim3A_93 : vector<128x1xf32> to vector<128x128xf32>
    %eq3A_95 = arith.cmpf oeq, %select_n3A_90, %eq3A_94 : vector<128x128xf32>
    %jit3A_96 = arith.constant 128 : i32
    %broadcast_in_dim3A_97 = vector.broadcast %jit3A_96 : i32 to vector<128x128xi32>
    %select_n3A_98 = arith.select %eq3A_95, %iota3A, %broadcast_in_dim3A_97 : vector<128x128xi1>, vector<128x128xi32>
    %reduce_min3A_99 = arith.constant dense<2147483647> : vector<128xi32>
    %reduce_min3A_100 = vector.multi_reduction <minsi>, %select_n3A_98, %reduce_min3A_99 [1] : vector<128x128xi32> to vector<128xi32>
    %broadcast_in_dim3A_101 = vector.shape_cast %reduce_min3A_100 : vector<128xi32> to vector<128x1xi32>
    %eq3A_102 = vector.broadcast %broadcast_in_dim3A_101 : vector<128x1xi32> to vector<128x128xi32>
    %eq3A_103 = arith.cmpi eq, %iota3A, %eq3A_102 : vector<128x128xi32>
    %convert_element_type3A_104 = arith.extui %eq3A_103 : vector<128x128xi1> to vector<128x128xi32>
    %convert_element_type3A_105 = arith.sitofp %convert_element_type3A_104 : vector<128x128xi32> to vector<128x128xf32>
    %dot_general3A_106 = arith.constant dense<0.000000e+00> : vector<128x256xf32>
    %dot_general3A_107 = tpu.matmul %convert_element_type3A_69, %get3A_1, %dot_general3A_106 {dimension_numbers = #tpu.dot_dimension_numbers<[1], [0], [0], [1], [0, 0, 1, 1], [], []>, transpose_lhs_hint = false} : vector<128x128xf32>, vector<128x256xf32>, vector<128x256xf32> -> vector<128x256xf32>
    %get3A_108 = arith.constant 0 : index
    %get3A_109 = arith.constant 0 : index
    %get3A_110 = vector.load %arg9[%get3A_108, %get3A_109] : memref<256x128xf32, #tpu.memory_space<vmem>>, vector<256x128xf32>
    %dot_general3A_111 = arith.constant dense<0.000000e+00> : vector<128x128xf32>
    %dot_general3A_112 = tpu.matmul %dot_general3A_107, %get3A_110, %dot_general3A_111 {dimension_numbers = #tpu.dot_dimension_numbers<[1], [0], [0], [1], [0, 0, 1, 1], [], []>, transpose_lhs_hint = false} : vector<128x256xf32>, vector<256x128xf32>, vector<128x128xf32> -> vector<128x128xf32>
    %get3A_113 = arith.constant 0 : index
    %get3A_114 = arith.constant 0 : index
    %get3A_115 = vector.load %arg10[%get3A_113, %get3A_114] : memref<256x128xf32, #tpu.memory_space<vmem>>, vector<256x128xf32>
    %dot_general3A_116 = arith.constant dense<0.000000e+00> : vector<128x128xf32>
    %dot_general3A_117 = tpu.matmul %get3A_1, %get3A_115, %dot_general3A_116 {dimension_numbers = #tpu.dot_dimension_numbers<[1], [0], [0], [1], [0, 0, 1, 1], [], []>, transpose_lhs_hint = false} : vector<128x256xf32>, vector<256x128xf32>, vector<128x128xf32> -> vector<128x128xf32>
    %add3A_118 = arith.addf %dot_general3A_112, %dot_general3A_117 : vector<128x128xf32>
    %get3A_119 = arith.constant 0 : index
    %get3A_120 = arith.constant 0 : index
    %get3A_121 = vector.load %arg11[%get3A_119, %get3A_120] : memref<1x128xf32, #tpu.memory_space<vmem>>, vector<1x128xf32>
    %add3A_122 = vector.broadcast %get3A_121 : vector<1x128xf32> to vector<128x128xf32>
    %add3A_123 = arith.addf %add3A_118, %add3A_122 : vector<128x128xf32>
    %max3A_124 = arith.constant 0.000000e+00 : f32
    %max3A_125 = vector.broadcast %max3A_124 : f32 to vector<128x128xf32>
    %max3A_126 = arith.maximumf %add3A_123, %max3A_125 : vector<128x128xf32>
    %get3A_127 = arith.constant 0 : index
    %get3A_128 = arith.constant 0 : index
    %get3A_129 = vector.load %arg12[%get3A_127, %get3A_128] : memref<128x128xf32, #tpu.memory_space<vmem>>, vector<128x128xf32>
    %dot_general3A_130 = arith.constant dense<0.000000e+00> : vector<128x128xf32>
    %dot_general3A_131 = tpu.matmul %max3A_126, %get3A_129, %dot_general3A_130 {dimension_numbers = #tpu.dot_dimension_numbers<[1], [0], [0], [1], [0, 0, 1, 1], [], []>, transpose_lhs_hint = false} : vector<128x128xf32>, vector<128x128xf32>, vector<128x128xf32> -> vector<128x128xf32>
    %get3A_132 = arith.constant 0 : index
    %get3A_133 = arith.constant 0 : index
    %get3A_134 = vector.load %arg13[%get3A_132, %get3A_133] : memref<1x128xf32, #tpu.memory_space<vmem>>, vector<1x128xf32>
    %add3A_135 = vector.broadcast %get3A_134 : vector<1x128xf32> to vector<128x128xf32>
    %add3A_136 = arith.addf %dot_general3A_131, %add3A_135 : vector<128x128xf32>
    %max3A_137 = arith.constant 0.000000e+00 : f32
    %max3A_138 = vector.broadcast %max3A_137 : f32 to vector<128x128xf32>
    %max3A_139 = arith.maximumf %add3A_136, %max3A_138 : vector<128x128xf32>
    %get3A_140 = arith.constant 0 : index
    %get3A_141 = arith.constant 0 : index
    %get3A_142 = vector.load %arg14[%get3A_140, %get3A_141] : memref<128x256xf32, #tpu.memory_space<vmem>>, vector<128x256xf32>
    %dot_general3A_143 = arith.constant dense<0.000000e+00> : vector<128x256xf32>
    %dot_general3A_144 = tpu.matmul %max3A_139, %get3A_142, %dot_general3A_143 {dimension_numbers = #tpu.dot_dimension_numbers<[1], [0], [0], [1], [0, 0, 1, 1], [], []>, transpose_lhs_hint = false} : vector<128x128xf32>, vector<128x256xf32>, vector<128x256xf32> -> vector<128x256xf32>
    %get3A_145 = arith.constant 0 : index
    %get3A_146 = arith.constant 0 : index
    %get3A_147 = vector.load %arg15[%get3A_145, %get3A_146] : memref<1x256xf32, #tpu.memory_space<vmem>>, vector<1x256xf32>
    %add3A_148 = vector.broadcast %get3A_147 : vector<1x256xf32> to vector<128x256xf32>
    %add3A_149 = arith.addf %dot_general3A_144, %add3A_148 : vector<128x256xf32>
    %dot_general3A_150 = arith.constant dense<0.000000e+00> : vector<128x256xf32>
    %dot_general3A_151 = tpu.matmul %convert_element_type3A_87, %get3A_1, %dot_general3A_150 {dimension_numbers = #tpu.dot_dimension_numbers<[1], [0], [0], [1], [0, 0, 1, 1], [], []>, transpose_lhs_hint = false} : vector<128x128xf32>, vector<128x256xf32>, vector<128x256xf32> -> vector<128x256xf32>
    %get3A_152 = arith.constant 0 : index
    %get3A_153 = arith.constant 0 : index
    %get3A_154 = vector.load %arg9[%get3A_152, %get3A_153] : memref<256x128xf32, #tpu.memory_space<vmem>>, vector<256x128xf32>
    %dot_general3A_155 = arith.constant dense<0.000000e+00> : vector<128x128xf32>
    %dot_general3A_156 = tpu.matmul %dot_general3A_151, %get3A_154, %dot_general3A_155 {dimension_numbers = #tpu.dot_dimension_numbers<[1], [0], [0], [1], [0, 0, 1, 1], [], []>, transpose_lhs_hint = false} : vector<128x256xf32>, vector<256x128xf32>, vector<128x128xf32> -> vector<128x128xf32>
    %get3A_157 = arith.constant 0 : index
    %get3A_158 = arith.constant 0 : index
    %get3A_159 = vector.load %arg10[%get3A_157, %get3A_158] : memref<256x128xf32, #tpu.memory_space<vmem>>, vector<256x128xf32>
    %dot_general3A_160 = arith.constant dense<0.000000e+00> : vector<128x128xf32>
    %dot_general3A_161 = tpu.matmul %get3A_1, %get3A_159, %dot_general3A_160 {dimension_numbers = #tpu.dot_dimension_numbers<[1], [0], [0], [1], [0, 0, 1, 1], [], []>, transpose_lhs_hint = false} : vector<128x256xf32>, vector<256x128xf32>, vector<128x128xf32> -> vector<128x128xf32>
    %add3A_162 = arith.addf %dot_general3A_156, %dot_general3A_161 : vector<128x128xf32>
    %get3A_163 = arith.constant 0 : index
    %get3A_164 = arith.constant 0 : index
    %get3A_165 = vector.load %arg11[%get3A_163, %get3A_164] : memref<1x128xf32, #tpu.memory_space<vmem>>, vector<1x128xf32>
    %add3A_166 = vector.broadcast %get3A_165 : vector<1x128xf32> to vector<128x128xf32>
    %add3A_167 = arith.addf %add3A_162, %add3A_166 : vector<128x128xf32>
    %max3A_168 = arith.constant 0.000000e+00 : f32
    %max3A_169 = vector.broadcast %max3A_168 : f32 to vector<128x128xf32>
    %max3A_170 = arith.maximumf %add3A_167, %max3A_169 : vector<128x128xf32>
    %get3A_171 = arith.constant 0 : index
    %get3A_172 = arith.constant 0 : index
    %get3A_173 = vector.load %arg12[%get3A_171, %get3A_172] : memref<128x128xf32, #tpu.memory_space<vmem>>, vector<128x128xf32>
    %dot_general3A_174 = arith.constant dense<0.000000e+00> : vector<128x128xf32>
    %dot_general3A_175 = tpu.matmul %max3A_170, %get3A_173, %dot_general3A_174 {dimension_numbers = #tpu.dot_dimension_numbers<[1], [0], [0], [1], [0, 0, 1, 1], [], []>, transpose_lhs_hint = false} : vector<128x128xf32>, vector<128x128xf32>, vector<128x128xf32> -> vector<128x128xf32>
    %get3A_176 = arith.constant 0 : index
    %get3A_177 = arith.constant 0 : index
    %get3A_178 = vector.load %arg13[%get3A_176, %get3A_177] : memref<1x128xf32, #tpu.memory_space<vmem>>, vector<1x128xf32>
    %add3A_179 = vector.broadcast %get3A_178 : vector<1x128xf32> to vector<128x128xf32>
    %add3A_180 = arith.addf %dot_general3A_175, %add3A_179 : vector<128x128xf32>
    %max3A_181 = arith.constant 0.000000e+00 : f32
    %max3A_182 = vector.broadcast %max3A_181 : f32 to vector<128x128xf32>
    %max3A_183 = arith.maximumf %add3A_180, %max3A_182 : vector<128x128xf32>
    %get3A_184 = arith.constant 0 : index
    %get3A_185 = arith.constant 0 : index
    %get3A_186 = vector.load %arg14[%get3A_184, %get3A_185] : memref<128x256xf32, #tpu.memory_space<vmem>>, vector<128x256xf32>
    %dot_general3A_187 = arith.constant dense<0.000000e+00> : vector<128x256xf32>
    %dot_general3A_188 = tpu.matmul %max3A_183, %get3A_186, %dot_general3A_187 {dimension_numbers = #tpu.dot_dimension_numbers<[1], [0], [0], [1], [0, 0, 1, 1], [], []>, transpose_lhs_hint = false} : vector<128x128xf32>, vector<128x256xf32>, vector<128x256xf32> -> vector<128x256xf32>
    %get3A_189 = arith.constant 0 : index
    %get3A_190 = arith.constant 0 : index
    %get3A_191 = vector.load %arg15[%get3A_189, %get3A_190] : memref<1x256xf32, #tpu.memory_space<vmem>>, vector<1x256xf32>
    %add3A_192 = vector.broadcast %get3A_191 : vector<1x256xf32> to vector<128x256xf32>
    %add3A_193 = arith.addf %dot_general3A_188, %add3A_192 : vector<128x256xf32>
    %max3A_194 = arith.maximumf %add3A_149, %add3A_193 : vector<128x256xf32>
    %dot_general3A_195 = arith.constant dense<0.000000e+00> : vector<128x256xf32>
    %dot_general3A_196 = tpu.matmul %convert_element_type3A_105, %get3A_1, %dot_general3A_195 {dimension_numbers = #tpu.dot_dimension_numbers<[1], [0], [0], [1], [0, 0, 1, 1], [], []>, transpose_lhs_hint = false} : vector<128x128xf32>, vector<128x256xf32>, vector<128x256xf32> -> vector<128x256xf32>
    %get3A_197 = arith.constant 0 : index
    %get3A_198 = arith.constant 0 : index
    %get3A_199 = vector.load %arg9[%get3A_197, %get3A_198] : memref<256x128xf32, #tpu.memory_space<vmem>>, vector<256x128xf32>
    %dot_general3A_200 = arith.constant dense<0.000000e+00> : vector<128x128xf32>
    %dot_general3A_201 = tpu.matmul %dot_general3A_196, %get3A_199, %dot_general3A_200 {dimension_numbers = #tpu.dot_dimension_numbers<[1], [0], [0], [1], [0, 0, 1, 1], [], []>, transpose_lhs_hint = false} : vector<128x256xf32>, vector<256x128xf32>, vector<128x128xf32> -> vector<128x128xf32>
    %get3A_202 = arith.constant 0 : index
    %get3A_203 = arith.constant 0 : index
    %get3A_204 = vector.load %arg10[%get3A_202, %get3A_203] : memref<256x128xf32, #tpu.memory_space<vmem>>, vector<256x128xf32>
    %dot_general3A_205 = arith.constant dense<0.000000e+00> : vector<128x128xf32>
    %dot_general3A_206 = tpu.matmul %get3A_1, %get3A_204, %dot_general3A_205 {dimension_numbers = #tpu.dot_dimension_numbers<[1], [0], [0], [1], [0, 0, 1, 1], [], []>, transpose_lhs_hint = false} : vector<128x256xf32>, vector<256x128xf32>, vector<128x128xf32> -> vector<128x128xf32>
    %add3A_207 = arith.addf %dot_general3A_201, %dot_general3A_206 : vector<128x128xf32>
    %get3A_208 = arith.constant 0 : index
    %get3A_209 = arith.constant 0 : index
    %get3A_210 = vector.load %arg11[%get3A_208, %get3A_209] : memref<1x128xf32, #tpu.memory_space<vmem>>, vector<1x128xf32>
    %add3A_211 = vector.broadcast %get3A_210 : vector<1x128xf32> to vector<128x128xf32>
    %add3A_212 = arith.addf %add3A_207, %add3A_211 : vector<128x128xf32>
    %max3A_213 = arith.constant 0.000000e+00 : f32
    %max3A_214 = vector.broadcast %max3A_213 : f32 to vector<128x128xf32>
    %max3A_215 = arith.maximumf %add3A_212, %max3A_214 : vector<128x128xf32>
    %get3A_216 = arith.constant 0 : index
    %get3A_217 = arith.constant 0 : index
    %get3A_218 = vector.load %arg12[%get3A_216, %get3A_217] : memref<128x128xf32, #tpu.memory_space<vmem>>, vector<128x128xf32>
    %dot_general3A_219 = arith.constant dense<0.000000e+00> : vector<128x128xf32>
    %dot_general3A_220 = tpu.matmul %max3A_215, %get3A_218, %dot_general3A_219 {dimension_numbers = #tpu.dot_dimension_numbers<[1], [0], [0], [1], [0, 0, 1, 1], [], []>, transpose_lhs_hint = false} : vector<128x128xf32>, vector<128x128xf32>, vector<128x128xf32> -> vector<128x128xf32>
    %get3A_221 = arith.constant 0 : index
    %get3A_222 = arith.constant 0 : index
    %get3A_223 = vector.load %arg13[%get3A_221, %get3A_222] : memref<1x128xf32, #tpu.memory_space<vmem>>, vector<1x128xf32>
    %add3A_224 = vector.broadcast %get3A_223 : vector<1x128xf32> to vector<128x128xf32>
    %add3A_225 = arith.addf %dot_general3A_220, %add3A_224 : vector<128x128xf32>
    %max3A_226 = arith.constant 0.000000e+00 : f32
    %max3A_227 = vector.broadcast %max3A_226 : f32 to vector<128x128xf32>
    %max3A_228 = arith.maximumf %add3A_225, %max3A_227 : vector<128x128xf32>
    %get3A_229 = arith.constant 0 : index
    %get3A_230 = arith.constant 0 : index
    %get3A_231 = vector.load %arg14[%get3A_229, %get3A_230] : memref<128x256xf32, #tpu.memory_space<vmem>>, vector<128x256xf32>
    %dot_general3A_232 = arith.constant dense<0.000000e+00> : vector<128x256xf32>
    %dot_general3A_233 = tpu.matmul %max3A_228, %get3A_231, %dot_general3A_232 {dimension_numbers = #tpu.dot_dimension_numbers<[1], [0], [0], [1], [0, 0, 1, 1], [], []>, transpose_lhs_hint = false} : vector<128x128xf32>, vector<128x256xf32>, vector<128x256xf32> -> vector<128x256xf32>
    %get3A_234 = arith.constant 0 : index
    %get3A_235 = arith.constant 0 : index
    %get3A_236 = vector.load %arg15[%get3A_234, %get3A_235] : memref<1x256xf32, #tpu.memory_space<vmem>>, vector<1x256xf32>
    %add3A_237 = vector.broadcast %get3A_236 : vector<1x256xf32> to vector<128x256xf32>
    %add3A_238 = arith.addf %dot_general3A_233, %add3A_237 : vector<128x256xf32>
    %max3A_239 = arith.maximumf %max3A_194, %add3A_238 : vector<128x256xf32>
    %add3A_240 = arith.addf %add3A_49, %get3A_1 : vector<128x256xf32>
    %add3A_241 = arith.addf %add3A_240, %max3A_239 : vector<128x256xf32>
    %max3A_242 = arith.constant 0.000000e+00 : f32
    %max3A_243 = vector.broadcast %max3A_242 : f32 to vector<128x256xf32>
    %max3A_244 = arith.maximumf %add3A_241, %max3A_243 : vector<128x256xf32>
    %transpose3A_245 = tpu.transpose %max3A_244, [1, 0] : vector<128x256xf32> -> vector<256x128xf32>
    %dot_general3A_246 = arith.constant dense<0.000000e+00> : vector<128x128xf32>
    %dot_general3A_247 = tpu.matmul %max3A_244, %transpose3A_245, %dot_general3A_246 {dimension_numbers = #tpu.dot_dimension_numbers<[1], [0], [0], [1], [0, 0, 1, 1], [], []>, transpose_lhs_hint = false} : vector<128x256xf32>, vector<256x128xf32>, vector<128x128xf32> -> vector<128x128xf32>
    %mul3A_248 = arith.mulf %max3A_244, %max3A_244 : vector<128x256xf32>
    %reduce_sum3A_249 = arith.constant dense<0.000000e+00> : vector<128xf32>
    %reduce_sum3A_250 = vector.multi_reduction <add>, %mul3A_248, %reduce_sum3A_249 [1] : vector<128x256xf32> to vector<128xf32>
    %mul3A_251 = arith.constant 2.000000e+00 : f32
    %mul3A_252 = vector.broadcast %mul3A_251 : f32 to vector<128x128xf32>
    %mul3A_253 = arith.mulf %mul3A_252, %dot_general3A_247 : vector<128x128xf32>
    %broadcast_in_dim3A_254 = vector.shape_cast %reduce_sum3A_250 : vector<128xf32> to vector<1x128xf32>
    %sub3A_255 = vector.broadcast %broadcast_in_dim3A_254 : vector<1x128xf32> to vector<128x128xf32>
    %sub3A_256 = arith.subf %mul3A_253, %sub3A_255 : vector<128x128xf32>
    %broadcast_in_dim3A_257 = vector.shape_cast %reduce_sum3A_250 : vector<128xf32> to vector<128x1xf32>
    %sub3A_258 = vector.broadcast %broadcast_in_dim3A_257 : vector<128x1xf32> to vector<128x128xf32>
    %sub3A_259 = arith.subf %sub3A_256, %sub3A_258 : vector<128x128xf32>
    %iota3A_260 = tpu.iota {dimensions = array<i32: 1>} : vector<128x128xi32>
    %reduce_max3A_261 = arith.constant dense<0xFF800000> : vector<128xf32>
    %reduce_max3A_262 = vector.multi_reduction <maximumf>, %sub3A_259, %reduce_max3A_261 [1] : vector<128x128xf32> to vector<128xf32>
    %broadcast_in_dim3A_263 = vector.shape_cast %reduce_max3A_262 : vector<128xf32> to vector<128x1xf32>
    %eq3A_264 = vector.broadcast %broadcast_in_dim3A_263 : vector<128x1xf32> to vector<128x128xf32>
    %eq3A_265 = arith.cmpf oeq, %sub3A_259, %eq3A_264 : vector<128x128xf32>
    %jit3A_266 = arith.constant 128 : i32
    %broadcast_in_dim3A_267 = vector.broadcast %jit3A_266 : i32 to vector<128x128xi32>
    %select_n3A_268 = arith.select %eq3A_265, %iota3A_260, %broadcast_in_dim3A_267 : vector<128x128xi1>, vector<128x128xi32>
    %reduce_min3A_269 = arith.constant dense<2147483647> : vector<128xi32>
    %reduce_min3A_270 = vector.multi_reduction <minsi>, %select_n3A_268, %reduce_min3A_269 [1] : vector<128x128xi32> to vector<128xi32>
    %broadcast_in_dim3A_271 = vector.shape_cast %reduce_min3A_270 : vector<128xi32> to vector<128x1xi32>
    %eq3A_272 = vector.broadcast %broadcast_in_dim3A_271 : vector<128x1xi32> to vector<128x128xi32>
    %eq3A_273 = arith.cmpi eq, %iota3A_260, %eq3A_272 : vector<128x128xi32>
    %convert_element_type3A_274 = arith.extui %eq3A_273 : vector<128x128xi1> to vector<128x128xi32>
    %convert_element_type3A_275 = arith.sitofp %convert_element_type3A_274 : vector<128x128xi32> to vector<128x128xf32>
    %jit3A_276 = arith.constant 0xFF800000 : f32
    %broadcast_in_dim3A_277 = vector.broadcast %jit3A_276 : f32 to vector<128x128xf32>
    %select_n3A_278 = arith.select %eq3A_273, %broadcast_in_dim3A_277, %sub3A_259 : vector<128x128xi1>, vector<128x128xf32>
    %reduce_max3A_279 = arith.constant dense<0xFF800000> : vector<128xf32>
    %reduce_max3A_280 = vector.multi_reduction <maximumf>, %select_n3A_278, %reduce_max3A_279 [1] : vector<128x128xf32> to vector<128xf32>
    %broadcast_in_dim3A_281 = vector.shape_cast %reduce_max3A_280 : vector<128xf32> to vector<128x1xf32>
    %eq3A_282 = vector.broadcast %broadcast_in_dim3A_281 : vector<128x1xf32> to vector<128x128xf32>
    %eq3A_283 = arith.cmpf oeq, %select_n3A_278, %eq3A_282 : vector<128x128xf32>
    %jit3A_284 = arith.constant 128 : i32
    %broadcast_in_dim3A_285 = vector.broadcast %jit3A_284 : i32 to vector<128x128xi32>
    %select_n3A_286 = arith.select %eq3A_283, %iota3A_260, %broadcast_in_dim3A_285 : vector<128x128xi1>, vector<128x128xi32>
    %reduce_min3A_287 = arith.constant dense<2147483647> : vector<128xi32>
    %reduce_min3A_288 = vector.multi_reduction <minsi>, %select_n3A_286, %reduce_min3A_287 [1] : vector<128x128xi32> to vector<128xi32>
    %broadcast_in_dim3A_289 = vector.shape_cast %reduce_min3A_288 : vector<128xi32> to vector<128x1xi32>
    %eq3A_290 = vector.broadcast %broadcast_in_dim3A_289 : vector<128x1xi32> to vector<128x128xi32>
    %eq3A_291 = arith.cmpi eq, %iota3A_260, %eq3A_290 : vector<128x128xi32>
    %convert_element_type3A_292 = arith.extui %eq3A_291 : vector<128x128xi1> to vector<128x128xi32>
    %convert_element_type3A_293 = arith.sitofp %convert_element_type3A_292 : vector<128x128xi32> to vector<128x128xf32>
    %jit3A_294 = arith.constant 0xFF800000 : f32
    %broadcast_in_dim3A_295 = vector.broadcast %jit3A_294 : f32 to vector<128x128xf32>
    %select_n3A_296 = arith.select %eq3A_291, %broadcast_in_dim3A_295, %select_n3A_278 : vector<128x128xi1>, vector<128x128xf32>
    %reduce_max3A_297 = arith.constant dense<0xFF800000> : vector<128xf32>
    %reduce_max3A_298 = vector.multi_reduction <maximumf>, %select_n3A_296, %reduce_max3A_297 [1] : vector<128x128xf32> to vector<128xf32>
    %broadcast_in_dim3A_299 = vector.shape_cast %reduce_max3A_298 : vector<128xf32> to vector<128x1xf32>
    %eq3A_300 = vector.broadcast %broadcast_in_dim3A_299 : vector<128x1xf32> to vector<128x128xf32>
    %eq3A_301 = arith.cmpf oeq, %select_n3A_296, %eq3A_300 : vector<128x128xf32>
    %jit3A_302 = arith.constant 128 : i32
    %broadcast_in_dim3A_303 = vector.broadcast %jit3A_302 : i32 to vector<128x128xi32>
    %select_n3A_304 = arith.select %eq3A_301, %iota3A_260, %broadcast_in_dim3A_303 : vector<128x128xi1>, vector<128x128xi32>
    %reduce_min3A_305 = arith.constant dense<2147483647> : vector<128xi32>
    %reduce_min3A_306 = vector.multi_reduction <minsi>, %select_n3A_304, %reduce_min3A_305 [1] : vector<128x128xi32> to vector<128xi32>
    %broadcast_in_dim3A_307 = vector.shape_cast %reduce_min3A_306 : vector<128xi32> to vector<128x1xi32>
    %eq3A_308 = vector.broadcast %broadcast_in_dim3A_307 : vector<128x1xi32> to vector<128x128xi32>
    %eq3A_309 = arith.cmpi eq, %iota3A_260, %eq3A_308 : vector<128x128xi32>
    %convert_element_type3A_310 = arith.extui %eq3A_309 : vector<128x128xi1> to vector<128x128xi32>
    %convert_element_type3A_311 = arith.sitofp %convert_element_type3A_310 : vector<128x128xi32> to vector<128x128xf32>
    %add3A_312 = arith.addf %convert_element_type3A_275, %convert_element_type3A_293 : vector<128x128xf32>
    %add3A_313 = arith.addf %add3A_312, %convert_element_type3A_311 : vector<128x128xf32>
    %dot_general3A_314 = arith.constant dense<0.000000e+00> : vector<128x256xf32>
    %dot_general3A_315 = tpu.matmul %add3A_313, %max3A_244, %dot_general3A_314 {dimension_numbers = #tpu.dot_dimension_numbers<[1], [0], [0], [1], [0, 0, 1, 1], [], []>, transpose_lhs_hint = false} : vector<128x128xf32>, vector<128x256xf32>, vector<128x256xf32> -> vector<128x256xf32>
    %mul3A_316 = arith.constant 0.333333343 : f32
    %mul3A_317 = vector.broadcast %mul3A_316 : f32 to vector<128x256xf32>
    %mul3A_318 = arith.mulf %dot_general3A_315, %mul3A_317 : vector<128x256xf32>
    %get3A_319 = arith.constant 0 : index
    %get3A_320 = arith.constant 0 : index
    %get3A_321 = vector.load %arg16[%get3A_319, %get3A_320] : memref<256x4096xf32, #tpu.memory_space<vmem>>, vector<256x4096xf32>
    %dot_general3A_322 = arith.constant dense<0.000000e+00> : vector<128x4096xf32>
    %dot_general3A_323 = tpu.matmul %max3A_244, %get3A_321, %dot_general3A_322 {dimension_numbers = #tpu.dot_dimension_numbers<[1], [0], [0], [1], [0, 0, 1, 1], [], []>, transpose_lhs_hint = false} : vector<128x256xf32>, vector<256x4096xf32>, vector<128x4096xf32> -> vector<128x4096xf32>
    %swap3A = arith.constant 0 : index
    %swap3A_324 = arith.constant 0 : index
    %swap3A_325 = vector.load %arg18[%swap3A, %swap3A_324] : memref<128x4608xf32, #tpu.memory_space<vmem>>, vector<128x4096xf32>
    tpu.vector_store %arg18[%swap3A, %swap3A_324], %dot_general3A_323 {strides = array<i32>} : memref<128x4608xf32, #tpu.memory_space<vmem>>, vector<128x4096xf32>,
    %get3A_326 = arith.constant 0 : index
    %get3A_327 = arith.constant 0 : index
    %get3A_328 = vector.load %arg17[%get3A_326, %get3A_327] : memref<256x512xf32, #tpu.memory_space<vmem>>, vector<256x512xf32>
    %dot_general3A_329 = arith.constant dense<0.000000e+00> : vector<128x512xf32>
    %dot_general3A_330 = tpu.matmul %mul3A_318, %get3A_328, %dot_general3A_329 {dimension_numbers = #tpu.dot_dimension_numbers<[1], [0], [0], [1], [0, 0, 1, 1], [], []>, transpose_lhs_hint = false} : vector<128x256xf32>, vector<256x512xf32>, vector<128x512xf32> -> vector<128x512xf32>
    %swap3A_331 = arith.constant 0 : index
    %swap3A_332 = arith.constant 4096 : index
    %swap3A_333 = vector.load %arg18[%swap3A_331, %swap3A_332] : memref<128x4608xf32, #tpu.memory_space<vmem>>, vector<128x512xf32>
    tpu.vector_store %arg18[%swap3A_331, %swap3A_332], %dot_general3A_330 {strides = array<i32>} : memref<128x4608xf32, #tpu.memory_space<vmem>>, vector<128x512xf32>,
    return
  }
}

</mosaic_0001>

<sc_bundles>
// kernel: kernel.4.cloned.1.call-start
scs
__scs_entry_jumppad:
0x0: {  	(pc) =	sbr.rel $0x88, $3  }
0x1: {  	(tag) =	ssettag $0x0;
	lr =	simm.s32 $0x1  }
0x2: {  	[smem:$0x3F92] =	sst lr;
	_ =	strace $0xD0000000  }
0x3: {  	_ = 	snop  }
0x4: {  	_ = 	snop  }
0x5: {  	_ = 	snop  }
0x6: {  	_ = 	snop  }
0x7: {  	_ = 	snop  }
__scs_overlays_trampoline_lowered:
0x8: {  	[smem:$0x3FA1] =	sst s0  }
0x9: {  	[smem:$0x3FA2] =	sst s1  }
0xa: {  	[smem:$0x3FA3] =	sst s2  }
0xb: {  	[smem:$0x3FA4] =	sst s3  }
0xc: {  	[smem:$0x3FA5] =	sst s4  }
0xd: {  	[smem:$0x3FA6] =	sst s5  }
0xe: {  	[smem:$0x3FA7] =	sst s6  }
0xf: {  	[smem:$0x3FA8] =	sst s7  }
0x10: {  	[smem:$0x3FA9] =	sst s8  }
0x11: {  	[smem:$0x3FAA] =	sst s9;
	s0 =	simm.s32 @!p0 $0x0  }
0x12: {  	s1 =	sld [smem:$0x3F90];
	s0 =	simm.s32 @p0 $0x1  }
0x13: {  	[smem:$0x3FAB] =	sst s0;
	s0 =	simm.s32 @!p1 $0x0  }
0x14: {  	s2 =	sld [smem:$0x3F8F];
	s0 =	simm.s32 @p1 $0x1  }
0x15: {  	[smem:$0x3FAC] =	sst s0;
	s0 =	simm.s32 @!p2 $0x0  }
0x16: {  	s3 =	sld [smem:$0x3FDB];
	s0 =	simm.s32 @p2 $0x1  }
0x17: {  	s4 =	simm.s32 $0x1BF5;
	[smem:$0x3FAE] =	sst s0  }
0x18: {  	s0 =	sld [smem:$0x3F91];
	_ =	swait.ge [sflag:s4], $0x0  }
0x19: {  	s7 =	sld [smem:$0x3F92]  }
0x1a: {  	s8 =	sadd.s32 $0xFFFFE003, lr  }
0x1b: {  	s9 =	sadd.s32 $0xFFFFFEF7, lr;
	s5 =	simm.s32 $0xFFFFFFFF;
	p2 =	slt.u32 s8, $0xFFFFF086  }
0x1c: {  	p1 =	slt.u32 s9, $0xF7A;
	s5 =	simm.s32 @!p2 $0x0  }
0x1d: {  	s5 =	simm.s32 @p1 $0x1;
	p0 =	seq.s32 s7, s2  }
0x1e: {  	s7 =	smul.u32 @!p0 $0xF7A, s2;
	p2 =	seq.s32 @!p0 s5, $0x0  }
0x1f: {  	s9 =	smul.u32 $0xF7A, s1;
	s8 =	simm.s32 @!p0 $0x1BF5;
	p2 =	por !p2, p0  }
0x20: {  	[sflag:s8] =	ssyncset.s32 @!p0 $0xFFFFF086;
	s6 =	sadd.s32 @!p0 s3, s7;
	s7 =	simm.s32 @!p0 $0x108  }
0x21: {  	s3 =	sadd.s32 s3, s9;
	s6 =	sadd.s32 @!p0 $0x88, s6;
	s7 =	simm.s32 @p2 $0x1082  }
0x22: {  	[simem:s7], [sflag:s8] =	dma.local @!p0 [hbm:s6], $0xF7A  }
0x23: {  	s9 =	sor.u32 $0xD0000000, s2;
	s6 =	simm.s32 $0x108;
	_ =	swait.ge @!p0 [sflag:s8], $0x0  }
0x24: {  	s3 =	sadd.s32 $0x88, s3;
	s6 =	simm.s32 @!p1 $0x1082;
	[sflag:s4] =	ssyncset.s32 $0xFFFFF086  }
0x25: {  	[simem:s6], [sflag:s4] =	dma.local [hbm:s3], $0xF7A  }
0x26: {  	[smem:$0x3F92] =	sst s1;
	(tag) =	ssettag s2;
	_ =	strace s9  }
0x27: {  	s1 =	sld [smem:$0x3FA2]  }
0x28: {  	s2 =	sld [smem:$0x3FA3]  }
0x29: {  	s4 =	sld [smem:$0x3FA5]  }
0x2a: {  	p0 =	seq.s32 s5, $0x0;
	s5 =	sld [smem:$0x3FA6]  }
0x2b: {  	s6 =	sld [smem:$0x3FA7]  }
0x2c: {  	s7 =	sld [smem:$0x3FA8]  }
0x2d: {  	s3 =	simm.s32 $0x108;
	s8 =	sld [smem:$0x3FA9]  }
0x2e: {  	s3 =	simm.s32 @!p0 $0x1082;
	s9 =	sld [smem:$0x3FAA]  }
0x2f: {  	lr =	sadd.s32 s0, s3;
	s0 =	sld [smem:$0x3FA1]  }
0x30: {  	s3 =	sld [smem:$0x3FA4]  }
0x31: {  	[smem:$0x3FAD] =	sst s10  }
0x32: {  	s10 =	sld [smem:$0x3FAB];
	_ =	sdelay $0x3  }
0x33: {  	p0 =	seq.s32 s10, $0x1;
	s10 =	sld [smem:$0x3FAD];
	_ =	sdelay $0x3  }
0x34: {  	[smem:$0x3FAD] =	sst s10  }
0x35: {  	s10 =	sld [smem:$0x3FAC];
	_ =	sdelay $0x3  }
0x36: {  	p1 =	seq.s32 s10, $0x1;
	s10 =	sld [smem:$0x3FAD];
	_ =	sdelay $0x3  }
0x37: {  	[smem:$0x3FAD] =	sst s10  }
0x38: {  	s10 =	sld [smem:$0x3FAE]  }
0x39: {  	_ = 	snop;
	(pc) =	sbr.ind lr, $3  }
0x3a: {  	_ = 	snop  }
0x3b: {  	_ = 	snop  }
0x3c: {  	p2 =	seq.s32 s10, $0x1;
	s10 =	sld [smem:$0x3FAD]  }
0x3d: {  	_ =	shalt  }
0x3e: {  	_ =	shalt  }
0x3f: {  	_ =	shalt  }
0x40: {  	_ =	shalt  }
0x41: {  	_ =	shalt  }
0x42: {  	_ =	shalt  }
0x43: {  	_ =	shalt  }
0x44: {  	_ =	shalt  }
0x45: {  	_ =	shalt  }
0x46: {  	_ =	shalt  }
0x47: {  	_ =	shalt  }
0x48: {  	_ =	shalt  }
0x49: {  	_ =	shalt  }
0x4a: {  	_ =	shalt  }
0x4b: {  	_ =	shalt  }
0x4c: {  	_ =	shalt  }
0x4d: {  	_ =	shalt  }
0x4e: {  	_ =	shalt  }
0x4f: {  	_ =	shalt  }
0x50: {  	_ =	shalt  }
0x51: {  	_ =	shalt  }
0x52: {  	_ =	shalt  }
0x53: {  	_ =	shalt  }
0x54: {  	_ =	shalt  }
0x55: {  	_ =	shalt  }
0x56: {  	_ =	shalt  }
0x57: {  	_ =	shalt  }
0x58: {  	_ =	shalt  }
0x59: {  	_ =	shalt  }
0x5a: {  	_ =	shalt  }
0x5b: {  	_ =	shalt  }
0x5c: {  	_ =	shalt  }
0x5d: {  	_ =	shalt  }
0x5e: {  	_ =	shalt  }
0x5f: {  	_ =	shalt  }
0x60: {  	_ =	shalt  }
0x61: {  	_ =	shalt  }
0x62: {  	_ =	shalt  }
0x63: {  	_ =	shalt  }
0x64: {  	_ =	shalt  }
0x65: {  	_ =	shalt  }
0x66: {  	_ =	shalt  }
0x67: {  	_ =	shalt  }
0x68: {  	_ =	shalt  }
0x69: {  	_ =	shalt  }
0x6a: {  	_ =	shalt  }
0x6b: {  	_ =	shalt  }
0x6c: {  	_ =	shalt  }
0x6d: {  	_ =	shalt  }
0x6e: {  	_ =	shalt  }
0x6f: {  	_ =	shalt  }
0x70: {  	_ =	shalt  }
0x71: {  	_ =	shalt  }
0x72: {  	_ =	shalt  }
0x73: {  	_ =	shalt  }
0x74: {  	_ =	shalt  }
0x75: {  	_ =	shalt  }
0x76: {  	_ =	shalt  }
0x77: {  	_ =	shalt  }
0x78: {  	_ =	shalt  }
0x79: {  	_ =	shalt  }
0x7a: {  	_ =	shalt  }
0x7b: {  	_ =	shalt  }
0x7c: {  	_ =	shalt  }
0x7d: {  	_ =	shalt  }
0x7e: {  	_ =	shalt  }
0x7f: {  	_ =	shalt  }
0x80: {  	_ =	shalt  }
0x81: {  	_ =	shalt  }
0x82: {  	_ =	shalt  }
0x83: {  	_ =	shalt  }
0x84: {  	_ =	shalt  }
0x85: {  	_ =	shalt  }
0x86: {  	_ =	shalt  }
0x87: {  	_ =	shalt  }
.Lfunc_end0:
.L_simem_size_0:
called_computation_lowered:
.L_overlay_start_0:
0x88: {  	s2 =	sld [smem:$0x3FD9]  }
0x89: {  	s3 =	sld [smem:$0x3FFE];
	_ =	sdelay $0x1  }
0x8a: {  	s1 =	srdreg.scid  }
0x8b: {  	s0 =	sand.u32 $0x1, s1  }
0x8c: {  	s17 =	sshll.u32 s0, $0xA;
	s2 =	sadd.s32 s3, s2  }
0x8d: {  	s2 =	sadd.s32 s2, s17  }
0x8e: {  	[smem:$0x3FB9] =	sst s2  }
0x8f: {  	_ = 	snop  }
0x90: {  	s2 =	sld [smem:$0x3FBB]  }
0x91: {  	s18 =	sld [smem:$0x3FD0];
	(tm) =	ssettm $0x1  }
0x92: {  	s4 =	sld [smem:$0x3FFB];
	_ =	sdelay $0x3  }
0x93: {  	_ =	strace s4  }
0x94: {  	s4 =	sld [smem:$0x3FFC];
	_ =	sdelay $0x3  }
0x95: {  	_ =	strace s4  }
0x96: {  	s4 =	sld [smem:$0x3FFD];
	_ =	sdelay $0x3  }
0x97: {  	_ =	strace s4  }
0x98: {  	_ =	strace $0x8FFFFFFF  }
0x99: {  	s19 =	sld [smem:$0x3FDB];
	_ =	sdelay $0x1  }
0x9a: {  	s5 =	simm.s32 $_scs_section_size  }
0x9b: {  	s6 =	simm.s32 $_size__tile_overlayer_lowered;
	s7 =	simm.s32 $_tile_overlayer_lowered  }
0x9c: {  	s22 =	simm.s32 $0x1BFF;
	s21 =	sshll.u32 s7, $0x1;
	s4 =	sadd.s32 s5, s19  }
0x9d: {  	s8 =	simm.s32 $0x0;
	s20 =	sshll.u32 s6, $0x1;
	s6 =	sadd.s32 s21, s4  }
0x9e: {  	[timem:s8], [sflag:s22] =	dma.local [hbm:s6], s20  }
0x9f: {  	_ =	swait.ge [sflag:s22], s20  }
0xa0: {  	s5 =	ssub.s32 $0x0, s20;
	[sflag:s22] =	ssyncset.done $0x0  }
0xa1: {  	[sflag:s22] =	ssyncadd.s32 s5;
	_ =	sdelay $0x1  }
0xa2: {  	s23 =	simm.s32 $0x1B8B  }
0xa3: {  	_ =	swait.ge [sflag:s23], $0x1  }
0xa4: {  	[sflag:s23] =	ssyncset.done $0x0  }
0xa5: {  	s25 =	simm.s32 $0x1B8E;
	s24 =	sld [smem:$0x3FFE];
	[sflag:s23] =	ssyncadd.s32 $0xFFFFFFFF  }
0xa6: {  	s26 =	simm.s32 $execute0_lowered;
	[smem:$0x3FD2] =	sst s25  }
0xa7: {  	s6 =	sshll.u32 s26, $0x1;
	_ =	strace $0x80000046;
	[dreg:$0x1] =	wrdreg $0xFFFFFFFF  }
0xa8: {  	s28 =	simm.s32 $_size_execute0_lowered;
	s4 =	sadd.s32 s4, s6;
	[dreg:$0x0] =	wrdreg $0x0  }
0xa9: {  	s6 =	sshll.u32 s28, $0x1;
	[dreg:$0x2] =	wrdreg s4  }
0xaa: {  	[dreg:$0x3] =	wrdreg s6  }
0xab: {  	[dreg:$0x4] =	wrdreg $0xC0  }
0xac: {  	_ =	task [dreg:s8], $0x5FFFF  }
0xad: {  	[dreg:$0x1] =	wrdreg $0xFFFFFFFF  }
0xae: {  	[dreg:$0x0] =	wrdreg $0x60  }
0xaf: {  	[dreg:$0x2] =	wrdreg s24  }
0xb0: {  	[dreg:$0x3] =	wrdreg s18  }
0xb1: {  	[dreg:$0x4] =	wrdreg s2  }
0xb2: {  	[dreg:$0x5] =	wrdreg $0x122800  }
0xb3: {  	[dreg:$0x6] =	wrdreg $0x9  }
0xb4: {  	_ =	task.clear_ibuf [dreg:s8], $0x7FFFF;
	_ =	strace $0x90000046  }
0xb5: {  	s29 =	simm.s32 $0x9;
	_ =	strace $0x80000048  }
0xb6: {  	_ =	swait.ge [sflag:s29], $0x1  }
0xb7: {  	[sflag:s29] =	ssyncadd.s32 $0xFFFFFFFF  }
0xb8: {  	_ =	strace $0x90000048  }
0xb9: {  	_ =	sfence  }
0xba: {  	s30 =	sld [smem:$0x0];
	_ =	sdelay $0x2  }
0xbb: {  	s31 =	sshll.u32 s1, $0xD;
	s1 =	sshrl.u32 s1, $0x2  }
0xbc: {  	s3 =	sand.u32 $0x4000, s31;
	s1 =	sadd.s32 s1, s30  }
0xbd: {  	s0 =	sor.u32 s3, s0;
	s1 =	sshll.u32 s1, $0x11  }
0xbe: {  	s0 =	sor.u32 s1, s0  }
0xbf: {  	s0 =	sadd.s32 $0x8F2B, s0  }
0xc0: {  	[sflag:s0] =	ssyncadd.remote.s32 $0x1  }
0xc1: {  	_ =	sfence.sel $0xFFFF  }
0xc2: {  	[dreg:$0x0] =	wrdreg $0xFFFFFFFF;
	(pc) =	sbr.abs _section_cstart, $3  }
0xc3: {  	[dreg:$0x1] =	wrdreg $0xFFFFFFFF  }
0xc4: {  	_ =	task.clear_ibuf [dreg:s8], $0x2FFFF;
	_ =	strace $0x9FFFFFFF  }
0xc5: {  	(tm) =	ssettm $0x7FFFFFFF  }
tec
execute0_lowered:
.L_overlay_start_1:
0x0: {  	(tag) =	ssettag $0x1  }
0x1: {  	s0 =	rddreg [dreg:$0x0]  }
0x2: {  	s1 =	rddreg [dreg:$0x1]  }
0x3: {  	s2 =	rddreg [dreg:$0x3];
	s3 =	simm.s32 $0x0;
	s4 =	srdreg.scid  }
0x4: {  	s7 =	stileid.u32;
	s17 =	simm.s32 $0x48;
	s30 =	simm.s32 $0x4180  }
0x5: {  	s31 =	simm.s32 $0x4380;
	s15 =	simm.s32 $0x4980;
	s18 =	simm.s32 $0x4B80  }
0x6: {  	s28 =	simm.s32 $0x2;
	s12 =	simm.s32 $0x7;
	s13 =	simm.s32 $0x4  }
0x7: {  	s16 =	simm.s32 $0x8;
	[smem:$0x7FF] =	sst s3;
	s4 =	sand.u32 $0x1, s4  }
0x8: {  	s5 =	sshll.u32 s7, $0x1;
	s6 =	sadd.s32 $0x2A00, s0;
	_ =	strace $0x80000047  }
0x9: {  	[dreg:$0x5] =	wrdreg s6;
	s19 =	sor.u32 s4, s5;
	s4 =	ssub.s32 $0x2, s4  }
0xa: {  	s5 =	sadd.s32 $0x14A00, s0;
	s8 =	sshll.u32 s19, $0xB;
	s9 =	sshrl.u32 s4, $0x1  }
0xb: {  	s10 =	smul.u32 $0x4800, s19;
	s0 =	sadd.s32 s8, s0;
	s1 =	sadd.s32 s1, s8  }
0xc: {  	s4 =	ssub.s32 s4, s9;
	[dreg:$0x6] =	wrdreg s1;
	s0 =	sadd.s32 $0xA4A00, s0  }
0xd: {  	p0 =	sne.s32 s7, $0x0;
	s24 =	smax.u32 s4, $0x1;
	[dreg:$0xb] =	wrdreg s0  }
0xe: {  	s7 =	simm.s32 $0x3;
	s20 =	sadd.s32 s5, s10;
	[dreg:$0xc] =	wrdreg s24  }
0xf: {  	s6 =	sshll.u32 s19, $0x7;
	s21 =	sadd.s32 $0x90, s20;
	[dreg:$0x7] =	wrdreg s20  }
0x10: {  	s19 =	simm.s32 $0x4D80;
	s22 =	sadd.s32 $0x120, s20;
	[dreg:$0x8] =	wrdreg s21  }
0x11: {  	s9 =	simm.s32 $0x9;
	s23 =	sadd.s32 $0x1B0, s20;
	[dreg:$0x9] =	wrdreg s22  }
0x12: {  	s1 =	simm.s32 $0x4780;
	s0 =	sshrl.u32 @!p0 s2, $0x3;
	[dreg:$0xa] =	wrdreg s23  }
.Ltmp0:
0x13: {  	s25 =	sadd.s32 $0x10, s20;
	[dreg:$0xd] =	wrdreg s0;
	(pc) =	sbr.rel .LBB2_1-.Ltmp0, $4  }
0x14: {  	s4 =	simm.s32 $0x6;
	s26 =	sadd.s32 $0x20, s20;
	[dreg:$0xe] =	wrdreg s25  }
0x15: {  	s10 =	simm.s32 $0x0;
	s29 =	sadd.s32 $0x30, s20;
	[dreg:$0xf] =	wrdreg s26  }
0x16: {  	[dreg:$0x10] =	wrdreg s29;
	s0 =	simm.s32 $0x4580;
	s21 =	simm.s32 $0x4F80  }
0x17: {  	s23 =	simm.s32 $0x5180;
	s25 =	simm.s32 $0x1;
	s26 =	simm.s32 $0x5  }
.LBB2_12:
0x18: {  	s8 =	rddreg [dreg:$0xb];
	s9 =	simm.s32 $0xE200  }
0x19: {  	[hbm4b:s8+s3] =	stream.linear.scatter [tilespmem:s9], [sflag:$0x9], $0x4000, $0x38;
	[tilespmem:$0x1B280] =	vst v63  }
0x1a: {  	s9 =	simm.s32 $0x9  }
0x1b: {  	_ =	swait.ge [sflag:s9], $0x4000  }
0x1c: {  	s10 =	rddreg [dreg:$0x11]  }
0x1d: {  	s29 =	rddreg [dreg:$0xc];
	s10 =	sadd.s32 $0x1, s10  }
0x1e: {  	p1 =	sne.s32 s10, s29  }
.Ltmp1:
0x1f: {  	_ = 	snop;
	(pc) =	sbr.rel @!p1 .LBB2_13-.Ltmp1, $3  }
0x20: {  	_ =	sdelay $0x1  }
0x21: {  	[sflag:s9] =	ssyncset.done $0x0  }
0x22: {  	[sflag:s9] =	ssyncadd.s32 $0xFFFFC000  }
.LBB2_1:
0x23: {  	[dreg:$0x11] =	wrdreg s10  }
0x24: {  	s8 =	rddreg [dreg:$0x6]  }
0x25: {  	[tilespmem:s3], [sflag:$0x9] =	stream.linear.gather [hbm4b:s8+s3], $0x4000, $0x38;
	[tilespmem:$0x1B280] =	vst v63  }
0x26: {  	_ =	swait.ge [sflag:s9], $0x4000  }
0x27: {  	[sflag:s9] =	ssyncset.done $0x0  }
0x28: {  	[sflag:s9] =	ssyncadd.s32 $0xFFFFC000  }
0x29: {  	s29 =	simm.s32 $0x12200;
	s24 =	rddreg [dreg:$0x2]  }
0x2a: {  	[tilespmem:s29], [sflag:$0x9] =	stream.linear.gather [hbm4b:s24+s3], $0x80, $0x38;
	[tilespmem:$0x1B280] =	vst v63  }
0x2b: {  	_ =	swait.ge [sflag:s9], $0x80  }
0x2c: {  	[sflag:s9] =	ssyncset.done $0x0;
	s10 =	rddreg [dreg:$0xd]  }
0x2d: {  	s8 =	simm.s32 @!p0 $0x1C09;
	[sflag:s9] =	ssyncadd.s32 $0xFFFFFF80;
	s9 =	rddreg [dreg:$0x5]  }
0x2e: {  	[spmem:s10], [sflag:s8] =	dma.local @!p0 [hbm:s9], $0x12000  }
0x2f: {  	s8 =	simm.s32 @!p0 $0x9  }
0x30: {  	_ =	swait.ge @!p0 [sflag:s8], $0x12000  }
0x31: {  	[sflag:s8] =	ssyncset.done @!p0 $0x0  }
0x32: {  	[sflag:s8] =	ssyncadd.s32 @!p0 $0xFFFEE000  }
0x33: {  	s9 =	simm.s32 $0x5200;
	[bflag:$0x0] =	sbarrier.arrive $0xFFFF  }
0x34: {  	[tilespmem:s9], [sflag:$0x1] =	stream.indirect.gather [spmem:s2], $0x80, s3, s17, $0xb8;
	[tilespmem:$0x1B280] =	vst v63  }
0x35: {  	s10 =	simm.s32 $0x4000;
	s9 =	rddreg [dreg:$0x7]  }
0x36: {  	[tilespmem:s10], [sflag:$0x5] =	stream.linear.gather [hbm4b:s9+s3], $0x80, $0x38;
	[tilespmem:$0x1B280] =	vst v63  }
0x37: {  	s14 =	simm.s32 $0x4200;
	s11 =	rddreg [dreg:$0xe]  }
0x38: {  	[tilespmem:s14], [sflag:$0x5] =	stream.linear.gather [hbm4b:s11+s3], $0x80, $0x38;
	[tilespmem:$0x1B280] =	vst v63  }
0x39: {  	s22 =	simm.s32 $0x4400;
	s20 =	rddreg [dreg:$0xf]  }
0x3a: {  	[tilespmem:s22], [sflag:$0x5] =	stream.linear.gather [hbm4b:s20+s3], $0x80, $0x38;
	[tilespmem:$0x1B280] =	vst v63  }
0x3b: {  	s29 =	simm.s32 $0x4600;
	s24 =	rddreg [dreg:$0x10]  }
0x3c: {  	[tilespmem:s29], [sflag:$0x5] =	stream.linear.gather [hbm4b:s24+s3], $0x80, $0x38;
	[tilespmem:$0x1B280] =	vst v63  }
0x3d: {  	s11 =	sadd.s32 $0x40, s9;
	s14 =	simm.s32 $0x4800  }
0x3e: {  	[tilespmem:s14], [sflag:$0x5] =	stream.linear.gather [hbm4b:s11+s3], $0x80, $0x38;
	[tilespmem:$0x1B280] =	vst v63  }
0x3f: {  	s20 =	sadd.s32 $0x50, s9;
	s22 =	simm.s32 $0x4A00  }
0x40: {  	[tilespmem:s22], [sflag:$0x5] =	stream.linear.gather [hbm4b:s20+s3], $0x80, $0x38;
	[tilespmem:$0x1B280] =	vst v63  }
0x41: {  	s24 =	sadd.s32 $0x60, s9;
	s29 =	simm.s32 $0x4C00  }
0x42: {  	[tilespmem:s29], [sflag:$0x5] =	stream.linear.gather [hbm4b:s24+s3], $0x80, $0x38;
	[tilespmem:$0x1B280] =	vst v63  }
0x43: {  	s11 =	sadd.s32 $0x70, s9;
	s14 =	simm.s32 $0x4E00  }
0x44: {  	[tilespmem:s14], [sflag:$0x5] =	stream.linear.gather [hbm4b:s11+s3], $0x80, $0x38;
	[tilespmem:$0x1B280] =	vst v63  }
0x45: {  	s20 =	sadd.s32 $0x80, s9;
	s22 =	simm.s32 $0x5000  }
0x46: {  	[tilespmem:s22], [sflag:$0x5] =	stream.linear.gather [hbm4b:s20+s3], $0x80, $0x38;
	[tilespmem:$0x1B280] =	vst v63  }
0x47: {  	s24 =	simm.s32 $0x80;
	s29 =	simm.s32 $0x7600  }
0x48: {  	[tilespmem:s29], [sflag:$0x2] =	stream.indirect.gather [spmem:s2], $0x80, s24, s17, $0xb8;
	[tilespmem:$0x1B280] =	vst v63  }
0x49: {  	s10 =	simm.s32 $0x4080;
	s9 =	rddreg [dreg:$0x8]  }
0x4a: {  	[tilespmem:s10], [sflag:$0x6] =	stream.linear.gather [hbm4b:s9+s3], $0x80, $0x38;
	[tilespmem:$0x1B280] =	vst v63  }
0x4b: {  	s11 =	sadd.s32 $0x10, s9;
	s14 =	simm.s32 $0x4280  }
0x4c: {  	[tilespmem:s14], [sflag:$0x6] =	stream.linear.gather [hbm4b:s11+s3], $0x80, $0x38;
	[tilespmem:$0x1B280] =	vst v63  }
0x4d: {  	s20 =	sadd.s32 $0x20, s9;
	s22 =	simm.s32 $0x4480  }
0x4e: {  	[tilespmem:s22], [sflag:$0x6] =	stream.linear.gather [hbm4b:s20+s3], $0x80, $0x38;
	[tilespmem:$0x1B280] =	vst v63  }
0x4f: {  	s24 =	sadd.s32 $0x30, s9;
	s29 =	simm.s32 $0x4680  }
0x50: {  	[tilespmem:s29], [sflag:$0x6] =	stream.linear.gather [hbm4b:s24+s3], $0x80, $0x38;
	[tilespmem:$0x1B280] =	vst v63  }
0x51: {  	s11 =	sadd.s32 $0x40, s9;
	s14 =	simm.s32 $0x4880  }
0x52: {  	[tilespmem:s14], [sflag:$0x6] =	stream.linear.gather [hbm4b:s11+s3], $0x80, $0x38;
	[tilespmem:$0x1B280] =	vst v63  }
0x53: {  	s20 =	sadd.s32 $0x50, s9;
	s22 =	simm.s32 $0x4A80  }
0x54: {  	[tilespmem:s22], [sflag:$0x6] =	stream.linear.gather [hbm4b:s20+s3], $0x80, $0x38;
	[tilespmem:$0x1B280] =	vst v63  }
0x55: {  	s24 =	sadd.s32 $0x60, s9;
	s29 =	simm.s32 $0x4C80  }
0x56: {  	[tilespmem:s29], [sflag:$0x6] =	stream.linear.gather [hbm4b:s24+s3], $0x80, $0x38;
	[tilespmem:$0x1B280] =	vst v63  }
0x57: {  	s11 =	sadd.s32 $0x70, s9;
	s14 =	simm.s32 $0x4E80  }
0x58: {  	[tilespmem:s14], [sflag:$0x6] =	stream.linear.gather [hbm4b:s11+s3], $0x80, $0x38;
	[tilespmem:$0x1B280] =	vst v63  }
0x59: {  	s20 =	sadd.s32 $0x80, s9;
	s22 =	simm.s32 $0x5080  }
0x5a: {  	[tilespmem:s22], [sflag:$0x6] =	stream.linear.gather [hbm4b:s20+s3], $0x80, $0x38;
	[tilespmem:$0x1B280] =	vst v63  }
0x5b: {  	s24 =	simm.s32 $0x100;
	s29 =	simm.s32 $0x9A00  }
0x5c: {  	[tilespmem:s29], [sflag:$0x3] =	stream.indirect.gather [spmem:s2], $0x80, s24, s17, $0xb8;
	[tilespmem:$0x1B280] =	vst v63  }
0x5d: {  	s10 =	simm.s32 $0x4100;
	s9 =	rddreg [dreg:$0x9]  }
0x5e: {  	[tilespmem:s10], [sflag:$0x7] =	stream.linear.gather [hbm4b:s9+s3], $0x80, $0x38;
	[tilespmem:$0x1B280] =	vst v63  }
0x5f: {  	s11 =	sadd.s32 $0x10, s9;
	s14 =	simm.s32 $0x4300  }
0x60: {  	[tilespmem:s14], [sflag:$0x7] =	stream.linear.gather [hbm4b:s11+s3], $0x80, $0x38;
	[tilespmem:$0x1B280] =	vst v63  }
0x61: {  	s20 =	sadd.s32 $0x20, s9;
	s22 =	simm.s32 $0x4500  }
0x62: {  	[tilespmem:s22], [sflag:$0x7] =	stream.linear.gather [hbm4b:s20+s3], $0x80, $0x38;
	[tilespmem:$0x1B280] =	vst v63  }
0x63: {  	s24 =	sadd.s32 $0x30, s9;
	s29 =	simm.s32 $0x4700  }
0x64: {  	[tilespmem:s29], [sflag:$0x7] =	stream.linear.gather [hbm4b:s24+s3], $0x80, $0x38;
	[tilespmem:$0x1B280] =	vst v63  }
0x65: {  	s11 =	sadd.s32 $0x40, s9;
	s14 =	simm.s32 $0x4900  }
0x66: {  	[tilespmem:s14], [sflag:$0x7] =	stream.linear.gather [hbm4b:s11+s3], $0x80, $0x38;
	[tilespmem:$0x1B280] =	vst v63  }
0x67: {  	s20 =	sadd.s32 $0x50, s9;
	s22 =	simm.s32 $0x4B00  }
0x68: {  	[tilespmem:s22], [sflag:$0x7] =	stream.linear.gather [hbm4b:s20+s3], $0x80, $0x38;
	[tilespmem:$0x1B280] =	vst v63  }
0x69: {  	s24 =	sadd.s32 $0x60, s9;
	s29 =	simm.s32 $0x4D00  }
0x6a: {  	[tilespmem:s29], [sflag:$0x7] =	stream.linear.gather [hbm4b:s24+s3], $0x80, $0x38;
	[tilespmem:$0x1B280] =	vst v63  }
0x6b: {  	s10 =	sadd.s32 $0x70, s9;
	s11 =	simm.s32 $0x4F00  }
0x6c: {  	[tilespmem:s11], [sflag:$0x7] =	stream.linear.gather [hbm4b:s10+s3], $0x80, $0x38;
	[tilespmem:$0x1B280] =	vst v63  }
0x6d: {  	s14 =	sadd.s32 $0x80, s9;
	s20 =	simm.s32 $0x5100  }
0x6e: {  	[tilespmem:s20], [sflag:$0x7] =	stream.linear.gather [hbm4b:s14+s3], $0x80, $0x38;
	[tilespmem:$0x1B280] =	vst v63  }
0x6f: {  	s22 =	simm.s32 $0x180;
	s24 =	simm.s32 $0xBE00  }
0x70: {  	[tilespmem:s24], [sflag:$0x4] =	stream.indirect.gather [spmem:s2], $0x80, s22, s17, $0xb8;
	[tilespmem:$0x1B280] =	vst v63  }
0x71: {  	s9 =	rddreg [dreg:$0xa]  }
0x72: {  	[tilespmem:s30], [sflag:$0x8] =	stream.linear.gather [hbm4b:s9+s3], $0x80, $0x38;
	[tilespmem:$0x1B280] =	vst v63  }
0x73: {  	s29 =	sadd.s32 $0x10, s9  }
0x74: {  	[tilespmem:s31], [sflag:$0x8] =	stream.linear.gather [hbm4b:s29+s3], $0x80, $0x38;
	[tilespmem:$0x1B280] =	vst v63  }
0x75: {  	s10 =	sadd.s32 $0x20, s9  }
0x76: {  	[tilespmem:s0], [sflag:$0x8] =	stream.linear.gather [hbm4b:s10+s3], $0x80, $0x38;
	[tilespmem:$0x1B280] =	vst v63  }
0x77: {  	s11 =	sadd.s32 $0x30, s9  }
0x78: {  	[tilespmem:s1], [sflag:$0x8] =	stream.linear.gather [hbm4b:s11+s3], $0x80, $0x38;
	[tilespmem:$0x1B280] =	vst v63  }
0x79: {  	s14 =	sadd.s32 $0x40, s9  }
0x7a: {  	[tilespmem:s15], [sflag:$0x8] =	stream.linear.gather [hbm4b:s14+s3], $0x80, $0x38;
	[tilespmem:$0x1B280] =	vst v63  }
0x7b: {  	s20 =	sadd.s32 $0x50, s9  }
0x7c: {  	[tilespmem:s18], [sflag:$0x8] =	stream.linear.gather [hbm4b:s20+s3], $0x80, $0x38;
	[tilespmem:$0x1B280] =	vst v63  }
0x7d: {  	s22 =	sadd.s32 $0x60, s9  }
0x7e: {  	[tilespmem:s19], [sflag:$0x8] =	stream.linear.gather [hbm4b:s22+s3], $0x80, $0x38;
	[tilespmem:$0x1B280] =	vst v63  }
0x7f: {  	s24 =	sadd.s32 $0x70, s9  }
0x80: {  	[tilespmem:s21], [sflag:$0x8] =	stream.linear.gather [hbm4b:s24+s3], $0x80, $0x38;
	[tilespmem:$0x1B280] =	vst v63  }
0x81: {  	s29 =	sadd.s32 $0x80, s9;
	s22 =	simm.s32 $0x0  }
0x82: {  	[tilespmem:s23], [sflag:$0x8] =	stream.linear.gather [hbm4b:s29+s3], $0x80, $0x38;
	[tilespmem:$0x1B280] =	vst v63  }
.LBB2_2:
0x83: {  	_ =	swait.ge [sflag:s25], $0x2400  }
0x84: {  	[sflag:s25] =	ssyncset.done $0x0  }
0x85: {  	[sflag:s25] =	ssyncadd.s32 $0xFFFFDC00  }
0x86: {  	_ =	swait.ge [sflag:s26], $0x480  }
0x87: {  	[sflag:s26] =	ssyncset.done $0x0  }
0x88: {  	[sflag:s26] =	ssyncadd.s32 $0xFFFFFB80  }
0x89: {  	v2 =	vld [tilespmem:$0x12200]  }
0x8a: {  	v5 =	vld [tilespmem:$0x12210]  }
0x8b: {  	v6 =	vld [tilespmem:$0x12220]  }
0x8c: {  	v4 =	vld [tilespmem:$0x12230]  }
0x8d: {  	v3 =	vld [tilespmem:$0x12240]  }
0x8e: {  	v1 =	vld [tilespmem:$0x12250]  }
0x8f: {  	v0 =	vld [tilespmem:$0x12260]  }
0x90: {  	s8 =	simm.s32 $0x0;
	s9 =	simm.s32 $0x5240;
	v16 =	vld [tilespmem:$0x12270]  }
0x91: {  	s10 =	sand.u32 $0x70, s8;
	s8 =	sand.u32 $0x1E00, s8;
	v8 =	vld [tilespmem:s9+$0xFFFFFFC0]  }
0x92: {  	s8 =	sor.u32 s10, s8;
	v11 =	vld [tilespmem:s9+$0x30]  }
0x93: {  	v7 =	vld [tilespmem:s8+$0x4000]  }
0x94: {  	v13 =	vld [tilespmem:s9+$0xFFFFFFD0]  }
0x95: {  	v15 =	vld [tilespmem:s9+$0xFFFFFFE0]  }
0x96: {  	v12 =	vld [tilespmem:s9+$0xFFFFFFF0]  }
0x97: {  	v10 =	vld [tilespmem:s9+$0x0]  }
0x98: {  	v9 =	vld [tilespmem:s9+$0x10];
	v8 =	vmul.f32 v8, v7;
	v17 =	vmul.f32 v11, v7  }
0x99: {  	s29 =	simm.s32 $0x10;
	s14 =	simm.s32 $0x40;
	s8 =	simm.s32 $0x52C0;
	v14 =	vmul.f32 v13, v7;
	v11 =	vld [tilespmem:s9+$0x20]  }
0x9a: {  	s11 =	sand.u32 $0x1E00, s14;
	s10 =	sand.u32 $0x70, s29;
	v13 =	vld [tilespmem:s8+$0xFFFFFFC0];
	s9 =	simm.s32 $0x20;
	v15 =	vmul.f32 v15, v7;
	v8 =	vadd.f32 v8, v2;
	v2 =	vadd.f32 v17, v16  }
.LBB2_3:
0x9b: {  	p1 =	sne.s32 s9, $0x470;
	s10 =	sor.u32 s10, s11;
	v16 =	vld [tilespmem:s8+$0x30];
	v5 =	vadd.f32 v14, v5;
	v12 =	vmul.f32 v12, v7  }
0x9c: {  	v14 =	vld [tilespmem:s10+$0x4000];
	v6 =	vadd.f32 v15, v6;
	v10 =	vmul.f32 v10, v7  }
0x9d: {  	v15 =	vld [tilespmem:s8+$0xFFFFFFD0];
	v4 =	vadd.f32 v12, v4;
	v9 =	vmul.f32 v9, v7  }
0x9e: {  	v17 =	vld [tilespmem:s8+$0xFFFFFFE0];
	v3 =	vadd.f32 v10, v3;
	v11 =	vmul.f32 v11, v7  }
.Ltmp2:
0x9f: {  	v12 =	vld [tilespmem:s8+$0xFFFFFFF0];
	v1 =	vadd.f32 v9, v1;
	(pc) =	sbr.rel @p1 .LBB2_3-.Ltmp2, $4  }
0xa0: {  	v10 =	vld [tilespmem:s8+$0x0];
	v0 =	vadd.f32 v11, v0  }
0xa1: {  	v18 =	vmul.f32 v13, v14;
	v9 =	vld [tilespmem:s8+$0x10];
	v16 =	vmul.f32 v16, v14;
	v7 =	vmov v14  }
0xa2: {  	s14 =	sadd.s32 $0x40, s14;
	v14 =	vmul.f32 v15, v7;
	v11 =	vld [tilespmem:s8+$0x20];
	s8 =	sadd.s32 $0x80, s8  }
0xa3: {  	s10 =	sand.u32 $0x70, s9;
	s11 =	sand.u32 $0x1E00, s14;
	s9 =	sadd.s32 $0x10, s9;
	v13 =	vld [tilespmem:s8+$0xFFFFFFC0];
	v8 =	vadd.f32 v18, v8;
	v15 =	vmul.f32 v17, v7;
	v2 =	vadd.f32 v16, v2  }
0xa4: {  	s9 =	sor.u32 s10, s11  }
0xa5: {  	v16 =	vld [tilespmem:s9+$0x4000]  }
0xa6: {  	v17 =	vld [tilespmem:s8+$0xFFFFFFD0]  }
0xa7: {  	v19 =	vld [tilespmem:s8+$0xFFFFFFF0]  }
0xa8: {  	v18 =	vld [tilespmem:s8+$0xFFFFFFE0];
	v12 =	vmul.f32 v12, v7  }
0xa9: {  	v5 =	vadd.f32 v14, v5;
	v14 =	vld [tilespmem:s8+$0x0];
	v10 =	vmul.f32 v10, v7;
	v9 =	vmul.f32 v9, v7  }
0xaa: {  	v4 =	vadd.f32 v12, v4;
	v7 =	vmul.f32 v11, v7;
	v12 =	vmul.f32 v13, v16;
	v13 =	vld [tilespmem:s8+$0x10]  }
0xab: {  	v3 =	vadd.f32 v10, v3;
	v11 =	vld [tilespmem:s8+$0x20];
	v1 =	vadd.f32 v9, v1;
	v10 =	vmul.f32 v17, v16  }
0xac: {  	v9 =	vld [tilespmem:s8+$0x30];
	v0 =	vadd.f32 v7, v0;
	v7 =	vmul.f32 v19, v16;
	v8 =	vadd.f32 v12, v8  }
0xad: {  	v6 =	vadd.f32 v15, v6;
	s9 =	sshll.u32 s22, $0x9;
	v12 =	vmul.f32 v18, v16;
	v5 =	vadd.f32 v10, v5  }
0xae: {  	s24 =	sand.u32 $0x3FFFFE00, s9;
	v10 =	vmul.f32 v14, v16;
	v4 =	vadd.f32 v7, v4;
	v8 =	vmax.f32 v8, $0.0e+00  }
0xaf: {  	v6 =	vadd.f32 v12, v6;
	v5 =	vmax.f32 v5, $0.0e+00;
	v7 =	vmul.f32 v13, v16;
	[tilespmem:s24+$0xE200] =	vst v8  }
0xb0: {  	v3 =	vadd.f32 v10, v3;
	v4 =	vmax.f32 v4, $0.0e+00;
	v8 =	vmul.f32 v11, v16;
	[tilespmem:s24+$0xE210] =	vst v5  }
0xb1: {  	[tilespmem:s24+$0xE230] =	vst v4;
	v5 =	vmax.f32 v6, $0.0e+00;
	v6 =	vmul.f32 v9, v16;
	v1 =	vadd.f32 v7, v1  }
0xb2: {  	v3 =	vmax.f32 v3, $0.0e+00;
	[tilespmem:s24+$0xE220] =	vst v5;
	v0 =	vadd.f32 v8, v0  }
0xb3: {  	s14 =	sshll.u32 s22, $0x2;
	p1 =	seq.s32 s22, $0x1F;
	[tilespmem:s24+$0xE240] =	vst v3;
	v2 =	vadd.f32 v6, v2;
	v1 =	vmax.f32 v1, $0.0e+00  }
0xb4: {  	s8 =	sadd.s32 @!p1 $0x4, s14;
	v0 =	vmax.f32 v0, $0.0e+00;
	[tilespmem:s24+$0xE250] =	vst v1  }
0xb5: {  	s10 =	simm.s32 @!p1 $0x48;
	s9 =	sshll.u32 @!p1 s8, $0x7;
	s8 =	sadd.s32 @!p1 s6, s8;
	[tilespmem:s24+$0xE260] =	vst v0;
	v0 =	vmax.f32 v2, $0.0e+00  }
0xb6: {  	s11 =	simm.s32 @!p1 $0x5200;
	s9 =	sand.u32 @!p1 $0x3FFFFF80, s9;
	s8 =	smul.u32 @!p1 $0x90, s8;
	[tilespmem:s24+$0xE270] =	vst v0  }
0xb7: {  	[tilespmem:s11], [sflag:$0x1] =	stream.indirect.gather @!p1 [spmem:s2], $0x80, s9, s10, $0xb8;
	[tilespmem:$0x1B280] =	vst v63  }
0xb8: {  	s8 =	sadd.s32 @!p1 s5, s8;
	s9 =	simm.s32 @!p1 $0x0;
	s10 =	simm.s32 @!p1 $0x4000  }
0xb9: {  	[tilespmem:s10], [sflag:$0x5] =	stream.linear.gather @!p1 [hbm4b:s8+s9], $0x80, $0x38;
	[tilespmem:$0x1B280] =	vst v63  }
0xba: {  	s11 =	simm.s32 @!p1 $0x4200;
	s10 =	sadd.s32 @!p1 $0x10, s8  }
0xbb: {  	[tilespmem:s11], [sflag:$0x5] =	stream.linear.gather @!p1 [hbm4b:s10+s9], $0x80, $0x38;
	[tilespmem:$0x1B280] =	vst v63  }
0xbc: {  	s10 =	sadd.s32 @!p1 $0x20, s8;
	s11 =	simm.s32 @!p1 $0x4400  }
0xbd: {  	[tilespmem:s11], [sflag:$0x5] =	stream.linear.gather @!p1 [hbm4b:s10+s9], $0x80, $0x38;
	[tilespmem:$0x1B280] =	vst v63  }
0xbe: {  	s10 =	sadd.s32 @!p1 $0x30, s8;
	s11 =	simm.s32 @!p1 $0x4600  }
0xbf: {  	[tilespmem:s11], [sflag:$0x5] =	stream.linear.gather @!p1 [hbm4b:s10+s9], $0x80, $0x38;
	[tilespmem:$0x1B280] =	vst v63  }
0xc0: {  	s10 =	sadd.s32 @!p1 $0x40, s8;
	s11 =	simm.s32 @!p1 $0x4800  }
0xc1: {  	[tilespmem:s11], [sflag:$0x5] =	stream.linear.gather @!p1 [hbm4b:s10+s9], $0x80, $0x38;
	[tilespmem:$0x1B280] =	vst v63  }
0xc2: {  	s10 =	sadd.s32 @!p1 $0x50, s8;
	s11 =	simm.s32 @!p1 $0x4A00  }
0xc3: {  	[tilespmem:s11], [sflag:$0x5] =	stream.linear.gather @!p1 [hbm4b:s10+s9], $0x80, $0x38;
	[tilespmem:$0x1B280] =	vst v63  }
0xc4: {  	s10 =	sadd.s32 @!p1 $0x60, s8;
	s11 =	simm.s32 @!p1 $0x4C00  }
0xc5: {  	[tilespmem:s11], [sflag:$0x5] =	stream.linear.gather @!p1 [hbm4b:s10+s9], $0x80, $0x38;
	[tilespmem:$0x1B280] =	vst v63  }
0xc6: {  	s10 =	sadd.s32 @!p1 $0x70, s8;
	s11 =	simm.s32 @!p1 $0x4E00  }
0xc7: {  	[tilespmem:s11], [sflag:$0x5] =	stream.linear.gather @!p1 [hbm4b:s10+s9], $0x80, $0x38;
	[tilespmem:$0x1B280] =	vst v63  }
0xc8: {  	s8 =	sadd.s32 @!p1 $0x80, s8;
	s10 =	simm.s32 @!p1 $0x5000  }
0xc9: {  	[tilespmem:s10], [sflag:$0x5] =	stream.linear.gather @!p1 [hbm4b:s8+s9], $0x80, $0x38;
	[tilespmem:$0x1B280] =	vst v63  }
0xca: {  	_ =	swait.ge [sflag:s28], $0x2400  }
0xcb: {  	[sflag:s28] =	ssyncset.done $0x0  }
0xcc: {  	[sflag:s28] =	ssyncadd.s32 $0xFFFFDC00  }
0xcd: {  	_ =	swait.ge [sflag:s4], $0x480  }
0xce: {  	[sflag:s4] =	ssyncset.done $0x0  }
0xcf: {  	[sflag:s4] =	ssyncadd.s32 $0xFFFFFB80  }
0xd0: {  	v3 =	vld [tilespmem:$0x12200]  }
0xd1: {  	v5 =	vld [tilespmem:$0x12210]  }
0xd2: {  	v6 =	vld [tilespmem:$0x12220]  }
0xd3: {  	v4 =	vld [tilespmem:$0x12230]  }
0xd4: {  	v2 =	vld [tilespmem:$0x12240]  }
0xd5: {  	v1 =	vld [tilespmem:$0x12250]  }
0xd6: {  	v0 =	vld [tilespmem:$0x12260]  }
0xd7: {  	s11 =	simm.s32 $0x7670;
	s10 =	simm.s32 $0x0;
	v16 =	vld [tilespmem:$0x12270]  }
0xd8: {  	s20 =	sand.u32 $0x70, s10;
	s8 =	sand.u32 $0x1E00, s10;
	v8 =	vld [tilespmem:s11+$0xFFFFFF90]  }
0xd9: {  	s8 =	sor.u32 s20, s8;
	v11 =	vld [tilespmem:s11+$0x0]  }
0xda: {  	v7 =	vld [tilespmem:s8+$0x4080]  }
0xdb: {  	v13 =	vld [tilespmem:s11+$0xFFFFFFA0]  }
0xdc: {  	v15 =	vld [tilespmem:s11+$0xFFFFFFB0]  }
0xdd: {  	v12 =	vld [tilespmem:s11+$0xFFFFFFC0]  }
0xde: {  	v10 =	vld [tilespmem:s11+$0xFFFFFFD0]  }
0xdf: {  	v9 =	vld [tilespmem:s11+$0xFFFFFFE0];
	v8 =	vmul.f32 v8, v7;
	v17 =	vmul.f32 v11, v7  }
0xe0: {  	s29 =	simm.s32 $0x10;
	s20 =	simm.s32 $0x40;
	s8 =	simm.s32 $0x76F0;
	v14 =	vmul.f32 v13, v7;
	v11 =	vld [tilespmem:s11+$0xFFFFFFF0]  }
0xe1: {  	s9 =	simm.s32 $0x20;
	s10 =	sand.u32 $0x70, s29;
	s11 =	sand.u32 $0x1E00, s20;
	v13 =	vld [tilespmem:s8+$0xFFFFFF90];
	v15 =	vmul.f32 v15, v7;
	v8 =	vadd.f32 v8, v3;
	v3 =	vadd.f32 v17, v16  }
.LBB2_5:
0xe2: {  	p2 =	sne.s32 s9, $0x470;
	s10 =	sor.u32 s10, s11;
	v16 =	vld [tilespmem:s8+$0x0];
	v5 =	vadd.f32 v14, v5;
	v12 =	vmul.f32 v12, v7  }
0xe3: {  	v14 =	vld [tilespmem:s10+$0x4080];
	v6 =	vadd.f32 v15, v6;
	v10 =	vmul.f32 v10, v7  }
0xe4: {  	v15 =	vld [tilespmem:s8+$0xFFFFFFA0];
	v4 =	vadd.f32 v12, v4;
	v9 =	vmul.f32 v9, v7  }
0xe5: {  	v17 =	vld [tilespmem:s8+$0xFFFFFFB0];
	v2 =	vadd.f32 v10, v2;
	v11 =	vmul.f32 v11, v7  }
.Ltmp3:
0xe6: {  	v12 =	vld [tilespmem:s8+$0xFFFFFFC0];
	v1 =	vadd.f32 v9, v1;
	(pc) =	sbr.rel @p2 .LBB2_5-.Ltmp3, $4  }
0xe7: {  	v10 =	vld [tilespmem:s8+$0xFFFFFFD0];
	v0 =	vadd.f32 v11, v0  }
0xe8: {  	v18 =	vmul.f32 v13, v14;
	v9 =	vld [tilespmem:s8+$0xFFFFFFE0];
	v16 =	vmul.f32 v16, v14;
	v7 =	vmov v14  }
0xe9: {  	s20 =	sadd.s32 $0x40, s20;
	v14 =	vmul.f32 v15, v7;
	v11 =	vld [tilespmem:s8+$0xFFFFFFF0];
	s8 =	sadd.s32 $0x80, s8  }
0xea: {  	s10 =	sand.u32 $0x70, s9;
	s11 =	sand.u32 $0x1E00, s20;
	s9 =	sadd.s32 $0x10, s9;
	v13 =	vld [tilespmem:s8+$0xFFFFFF90];
	v8 =	vadd.f32 v18, v8;
	v15 =	vmul.f32 v17, v7;
	v3 =	vadd.f32 v16, v3  }
0xeb: {  	s9 =	sor.u32 s10, s11  }
0xec: {  	v16 =	vld [tilespmem:s9+$0x4080]  }
0xed: {  	v17 =	vld [tilespmem:s8+$0xFFFFFFA0]  }
0xee: {  	v19 =	vld [tilespmem:s8+$0xFFFFFFC0]  }
0xef: {  	v18 =	vld [tilespmem:s8+$0xFFFFFFB0];
	v12 =	vmul.f32 v12, v7  }
0xf0: {  	v5 =	vadd.f32 v14, v5;
	v14 =	vld [tilespmem:s8+$0xFFFFFFD0];
	v10 =	vmul.f32 v10, v7;
	v9 =	vmul.f32 v9, v7  }
0xf1: {  	v4 =	vadd.f32 v12, v4;
	v7 =	vmul.f32 v11, v7;
	v12 =	vmul.f32 v13, v16;
	v13 =	vld [tilespmem:s8+$0xFFFFFFE0]  }
0xf2: {  	v2 =	vadd.f32 v10, v2;
	v11 =	vld [tilespmem:s8+$0xFFFFFFF0];
	v1 =	vadd.f32 v9, v1;
	v10 =	vmul.f32 v17, v16  }
0xf3: {  	v9 =	vld [tilespmem:s8+$0x0];
	v0 =	vadd.f32 v7, v0;
	v7 =	vmul.f32 v19, v16;
	v8 =	vadd.f32 v12, v8  }
0xf4: {  	v6 =	vadd.f32 v15, v6;
	v12 =	vmul.f32 v18, v16;
	v5 =	vadd.f32 v10, v5  }
0xf5: {  	v10 =	vmul.f32 v14, v16;
	v4 =	vadd.f32 v7, v4;
	v8 =	vmax.f32 v8, $0.0e+00  }
0xf6: {  	v6 =	vadd.f32 v12, v6;
	v5 =	vmax.f32 v5, $0.0e+00;
	v7 =	vmul.f32 v13, v16;
	[tilespmem:s24+$0xE280] =	vst v8  }
0xf7: {  	v2 =	vadd.f32 v10, v2;
	v4 =	vmax.f32 v4, $0.0e+00;
	v8 =	vmul.f32 v11, v16;
	[tilespmem:s24+$0xE290] =	vst v5  }
0xf8: {  	[tilespmem:s24+$0xE2B0] =	vst v4;
	v5 =	vmax.f32 v6, $0.0e+00;
	v6 =	vmul.f32 v9, v16;
	v1 =	vadd.f32 v7, v1  }
0xf9: {  	v2 =	vmax.f32 v2, $0.0e+00;
	[tilespmem:s24+$0xE2A0] =	vst v5;
	v0 =	vadd.f32 v8, v0  }
0xfa: {  	[tilespmem:s24+$0xE2C0] =	vst v2;
	v3 =	vadd.f32 v6, v3;
	v1 =	vmax.f32 v1, $0.0e+00  }
0xfb: {  	s8 =	sadd.s32 @!p1 $0x5, s14;
	v0 =	vmax.f32 v0, $0.0e+00;
	[tilespmem:s24+$0xE2D0] =	vst v1  }
0xfc: {  	s10 =	simm.s32 @!p1 $0x48;
	s9 =	sshll.u32 @!p1 s8, $0x7;
	s8 =	sadd.s32 @!p1 s6, s8;
	[tilespmem:s24+$0xE2E0] =	vst v0;
	v0 =	vmax.f32 v3, $0.0e+00  }
0xfd: {  	s11 =	simm.s32 @!p1 $0x7600;
	s9 =	sand.u32 @!p1 $0x3FFFFF80, s9;
	s8 =	smul.u32 @!p1 $0x90, s8;
	[tilespmem:s24+$0xE2F0] =	vst v0  }
0xfe: {  	[tilespmem:s11], [sflag:$0x2] =	stream.indirect.gather @!p1 [spmem:s2], $0x80, s9, s10, $0xb8;
	[tilespmem:$0x1B280] =	vst v63  }
0xff: {  	s8 =	sadd.s32 @!p1 s5, s8;
	s9 =	simm.s32 @!p1 $0x0;
	s10 =	simm.s32 @!p1 $0x4080  }
0x100: {  	[tilespmem:s10], [sflag:$0x6] =	stream.linear.gather @!p1 [hbm4b:s8+s9], $0x80, $0x38;
	[tilespmem:$0x1B280] =	vst v63  }
0x101: {  	s11 =	simm.s32 @!p1 $0x4280;
	s10 =	sadd.s32 @!p1 $0x10, s8  }
0x102: {  	[tilespmem:s11], [sflag:$0x6] =	stream.linear.gather @!p1 [hbm4b:s10+s9], $0x80, $0x38;
	[tilespmem:$0x1B280] =	vst v63  }
0x103: {  	s10 =	sadd.s32 @!p1 $0x20, s8;
	s11 =	simm.s32 @!p1 $0x4480  }
0x104: {  	[tilespmem:s11], [sflag:$0x6] =	stream.linear.gather @!p1 [hbm4b:s10+s9], $0x80, $0x38;
	[tilespmem:$0x1B280] =	vst v63  }
0x105: {  	s10 =	sadd.s32 @!p1 $0x30, s8;
	s11 =	simm.s32 @!p1 $0x4680  }
0x106: {  	[tilespmem:s11], [sflag:$0x6] =	stream.linear.gather @!p1 [hbm4b:s10+s9], $0x80, $0x38;
	[tilespmem:$0x1B280] =	vst v63  }
0x107: {  	s10 =	sadd.s32 @!p1 $0x40, s8;
	s11 =	simm.s32 @!p1 $0x4880  }
0x108: {  	[tilespmem:s11], [sflag:$0x6] =	stream.linear.gather @!p1 [hbm4b:s10+s9], $0x80, $0x38;
	[tilespmem:$0x1B280] =	vst v63  }
0x109: {  	s10 =	sadd.s32 @!p1 $0x50, s8;
	s11 =	simm.s32 @!p1 $0x4A80  }
0x10a: {  	[tilespmem:s11], [sflag:$0x6] =	stream.linear.gather @!p1 [hbm4b:s10+s9], $0x80, $0x38;
	[tilespmem:$0x1B280] =	vst v63  }
0x10b: {  	s10 =	sadd.s32 @!p1 $0x60, s8;
	s11 =	simm.s32 @!p1 $0x4C80  }
0x10c: {  	[tilespmem:s11], [sflag:$0x6] =	stream.linear.gather @!p1 [hbm4b:s10+s9], $0x80, $0x38;
	[tilespmem:$0x1B280] =	vst v63  }
0x10d: {  	s10 =	sadd.s32 @!p1 $0x70, s8;
	s11 =	simm.s32 @!p1 $0x4E80  }
0x10e: {  	[tilespmem:s11], [sflag:$0x6] =	stream.linear.gather @!p1 [hbm4b:s10+s9], $0x80, $0x38;
	[tilespmem:$0x1B280] =	vst v63  }
0x10f: {  	s8 =	sadd.s32 @!p1 $0x80, s8;
	s10 =	simm.s32 @!p1 $0x5080  }
0x110: {  	[tilespmem:s10], [sflag:$0x6] =	stream.linear.gather @!p1 [hbm4b:s8+s9], $0x80, $0x38;
	[tilespmem:$0x1B280] =	vst v63  }
0x111: {  	_ =	swait.ge [sflag:s7], $0x2400  }
0x112: {  	[sflag:s7] =	ssyncset.done $0x0  }
0x113: {  	[sflag:s7] =	ssyncadd.s32 $0xFFFFDC00  }
0x114: {  	_ =	swait.ge [sflag:s12], $0x480  }
0x115: {  	[sflag:s12] =	ssyncset.done $0x0  }
0x116: {  	[sflag:s12] =	ssyncadd.s32 $0xFFFFFB80  }
0x117: {  	v3 =	vld [tilespmem:$0x12200]  }
0x118: {  	v5 =	vld [tilespmem:$0x12210]  }
0x119: {  	v6 =	vld [tilespmem:$0x12220]  }
0x11a: {  	v4 =	vld [tilespmem:$0x12230]  }
0x11b: {  	v2 =	vld [tilespmem:$0x12240]  }
0x11c: {  	v1 =	vld [tilespmem:$0x12250]  }
0x11d: {  	v0 =	vld [tilespmem:$0x12260]  }
0x11e: {  	s11 =	simm.s32 $0x0;
	s10 =	simm.s32 $0x0;
	v16 =	vld [tilespmem:$0x12270]  }
0x11f: {  	s20 =	sand.u32 $0x70, s10;
	s8 =	sand.u32 $0x1E00, s10;
	v8 =	vld [tilespmem:s11+$0x9A00]  }
0x120: {  	s8 =	sor.u32 s20, s8;
	v11 =	vld [tilespmem:s11+$0x9A70]  }
0x121: {  	v7 =	vld [tilespmem:s8+$0x4100]  }
0x122: {  	v13 =	vld [tilespmem:s11+$0x9A10]  }
0x123: {  	v15 =	vld [tilespmem:s11+$0x9A20]  }
0x124: {  	v12 =	vld [tilespmem:s11+$0x9A30]  }
0x125: {  	v10 =	vld [tilespmem:s11+$0x9A40]  }
0x126: {  	v9 =	vld [tilespmem:s11+$0x9A50];
	v8 =	vmul.f32 v8, v7;
	v17 =	vmul.f32 v11, v7  }
0x127: {  	s9 =	simm.s32 $0x10;
	s20 =	simm.s32 $0x40;
	s8 =	simm.s32 $0x80;
	v14 =	vmul.f32 v13, v7;
	v11 =	vld [tilespmem:s11+$0x9A60]  }
0x128: {  	s10 =	simm.s32 $0x400;
	s29 =	sand.u32 $0x1E00, s20;
	s11 =	sand.u32 $0x70, s9;
	v13 =	vld [tilespmem:s8+$0x9A00];
	v15 =	vmul.f32 v15, v7;
	v8 =	vadd.f32 v8, v3;
	v3 =	vadd.f32 v17, v16  }
.LBB2_7:
0x129: {  	p2 =	sne.s32 s10, $0x8E00;
	s11 =	sor.u32 s11, s29;
	v16 =	vld [tilespmem:s8+$0x9A70];
	v5 =	vadd.f32 v14, v5;
	v12 =	vmul.f32 v12, v7  }
0x12a: {  	v14 =	vld [tilespmem:s11+$0x4100];
	v6 =	vadd.f32 v15, v6;
	v10 =	vmul.f32 v10, v7  }
0x12b: {  	v15 =	vld [tilespmem:s8+$0x9A10];
	v4 =	vadd.f32 v12, v4;
	v9 =	vmul.f32 v9, v7  }
0x12c: {  	v17 =	vld [tilespmem:s8+$0x9A20];
	v2 =	vadd.f32 v10, v2;
	v11 =	vmul.f32 v11, v7  }
.Ltmp4:
0x12d: {  	v12 =	vld [tilespmem:s8+$0x9A30];
	v1 =	vadd.f32 v9, v1;
	(pc) =	sbr.rel @p2 .LBB2_7-.Ltmp4, $4  }
0x12e: {  	v10 =	vld [tilespmem:s8+$0x9A40];
	v0 =	vadd.f32 v11, v0  }
0x12f: {  	v18 =	vmul.f32 v13, v14;
	v9 =	vld [tilespmem:s8+$0x9A50];
	v16 =	vmul.f32 v16, v14;
	v7 =	vmov v14  }
0x130: {  	s20 =	sadd.s32 $0x40, s20;
	s9 =	sadd.s32 $0x10, s9;
	v14 =	vmul.f32 v15, v7;
	v11 =	vld [tilespmem:s8+$0x9A60];
	s8 =	sshra.s32 s10, $0x2  }
0x131: {  	s11 =	sand.u32 $0x70, s9;
	s29 =	sand.u32 $0x1E00, s20;
	s10 =	sadd.s32 $0x200, s10;
	v13 =	vld [tilespmem:s8+$0x9A00];
	v8 =	vadd.f32 v18, v8;
	v15 =	vmul.f32 v17, v7;
	v3 =	vadd.f32 v16, v3  }
0x132: {  	s9 =	sor.u32 s11, s29  }
0x133: {  	v16 =	vld [tilespmem:s9+$0x4100]  }
0x134: {  	v17 =	vld [tilespmem:s8+$0x9A10]  }
0x135: {  	v19 =	vld [tilespmem:s8+$0x9A30]  }
0x136: {  	v18 =	vld [tilespmem:s8+$0x9A20];
	v12 =	vmul.f32 v12, v7  }
0x137: {  	v5 =	vadd.f32 v14, v5;
	v14 =	vld [tilespmem:s8+$0x9A40];
	v10 =	vmul.f32 v10, v7;
	v9 =	vmul.f32 v9, v7  }
0x138: {  	v4 =	vadd.f32 v12, v4;
	v7 =	vmul.f32 v11, v7;
	v12 =	vmul.f32 v13, v16;
	v13 =	vld [tilespmem:s8+$0x9A50]  }
0x139: {  	v2 =	vadd.f32 v10, v2;
	v11 =	vld [tilespmem:s8+$0x9A60];
	v1 =	vadd.f32 v9, v1;
	v10 =	vmul.f32 v17, v16  }
0x13a: {  	v9 =	vld [tilespmem:s8+$0x9A70];
	v0 =	vadd.f32 v7, v0;
	v7 =	vmul.f32 v19, v16;
	v8 =	vadd.f32 v12, v8  }
0x13b: {  	v6 =	vadd.f32 v15, v6;
	v12 =	vmul.f32 v18, v16;
	v5 =	vadd.f32 v10, v5  }
0x13c: {  	v10 =	vmul.f32 v14, v16;
	v4 =	vadd.f32 v7, v4;
	v8 =	vmax.f32 v8, $0.0e+00  }
0x13d: {  	v6 =	vadd.f32 v12, v6;
	v5 =	vmax.f32 v5, $0.0e+00;
	v7 =	vmul.f32 v13, v16;
	[tilespmem:s24+$0xE300] =	vst v8  }
0x13e: {  	v2 =	vadd.f32 v10, v2;
	v4 =	vmax.f32 v4, $0.0e+00;
	v8 =	vmul.f32 v11, v16;
	[tilespmem:s24+$0xE310] =	vst v5  }
0x13f: {  	[tilespmem:s24+$0xE330] =	vst v4;
	v5 =	vmax.f32 v6, $0.0e+00;
	v6 =	vmul.f32 v9, v16;
	v1 =	vadd.f32 v7, v1  }
0x140: {  	v2 =	vmax.f32 v2, $0.0e+00;
	[tilespmem:s24+$0xE320] =	vst v5;
	v0 =	vadd.f32 v8, v0  }
0x141: {  	[tilespmem:s24+$0xE340] =	vst v2;
	v3 =	vadd.f32 v6, v3;
	v1 =	vmax.f32 v1, $0.0e+00  }
0x142: {  	s8 =	sadd.s32 @!p1 $0x6, s14;
	v0 =	vmax.f32 v0, $0.0e+00;
	[tilespmem:s24+$0xE350] =	vst v1  }
0x143: {  	s10 =	simm.s32 @!p1 $0x48;
	s9 =	sshll.u32 @!p1 s8, $0x7;
	s8 =	sadd.s32 @!p1 s6, s8;
	[tilespmem:s24+$0xE360] =	vst v0;
	v0 =	vmax.f32 v3, $0.0e+00  }
0x144: {  	s11 =	simm.s32 @!p1 $0x9A00;
	s9 =	sand.u32 @!p1 $0x3FFFFF80, s9;
	s8 =	smul.u32 @!p1 $0x90, s8;
	[tilespmem:s24+$0xE370] =	vst v0  }
0x145: {  	[tilespmem:s11], [sflag:$0x3] =	stream.indirect.gather @!p1 [spmem:s2], $0x80, s9, s10, $0xb8;
	[tilespmem:$0x1B280] =	vst v63  }
0x146: {  	s8 =	sadd.s32 @!p1 s5, s8;
	s9 =	simm.s32 @!p1 $0x0;
	s10 =	simm.s32 @!p1 $0x4100  }
0x147: {  	[tilespmem:s10], [sflag:$0x7] =	stream.linear.gather @!p1 [hbm4b:s8+s9], $0x80, $0x38;
	[tilespmem:$0x1B280] =	vst v63  }
0x148: {  	s11 =	simm.s32 @!p1 $0x4300;
	s10 =	sadd.s32 @!p1 $0x10, s8  }
0x149: {  	[tilespmem:s11], [sflag:$0x7] =	stream.linear.gather @!p1 [hbm4b:s10+s9], $0x80, $0x38;
	[tilespmem:$0x1B280] =	vst v63  }
0x14a: {  	s10 =	sadd.s32 @!p1 $0x20, s8;
	s11 =	simm.s32 @!p1 $0x4500  }
0x14b: {  	[tilespmem:s11], [sflag:$0x7] =	stream.linear.gather @!p1 [hbm4b:s10+s9], $0x80, $0x38;
	[tilespmem:$0x1B280] =	vst v63  }
0x14c: {  	s10 =	sadd.s32 @!p1 $0x30, s8;
	s11 =	simm.s32 @!p1 $0x4700  }
0x14d: {  	[tilespmem:s11], [sflag:$0x7] =	stream.linear.gather @!p1 [hbm4b:s10+s9], $0x80, $0x38;
	[tilespmem:$0x1B280] =	vst v63  }
0x14e: {  	s10 =	sadd.s32 @!p1 $0x40, s8;
	s11 =	simm.s32 @!p1 $0x4900  }
0x14f: {  	[tilespmem:s11], [sflag:$0x7] =	stream.linear.gather @!p1 [hbm4b:s10+s9], $0x80, $0x38;
	[tilespmem:$0x1B280] =	vst v63  }
0x150: {  	s10 =	sadd.s32 @!p1 $0x50, s8;
	s11 =	simm.s32 @!p1 $0x4B00  }
0x151: {  	[tilespmem:s11], [sflag:$0x7] =	stream.linear.gather @!p1 [hbm4b:s10+s9], $0x80, $0x38;
	[tilespmem:$0x1B280] =	vst v63  }
0x152: {  	s10 =	sadd.s32 @!p1 $0x60, s8;
	s11 =	simm.s32 @!p1 $0x4D00  }
0x153: {  	[tilespmem:s11], [sflag:$0x7] =	stream.linear.gather @!p1 [hbm4b:s10+s9], $0x80, $0x38;
	[tilespmem:$0x1B280] =	vst v63  }
0x154: {  	s10 =	sadd.s32 @!p1 $0x70, s8;
	s11 =	simm.s32 @!p1 $0x4F00  }
0x155: {  	[tilespmem:s11], [sflag:$0x7] =	stream.linear.gather @!p1 [hbm4b:s10+s9], $0x80, $0x38;
	[tilespmem:$0x1B280] =	vst v63  }
0x156: {  	s8 =	sadd.s32 @!p1 $0x80, s8;
	s10 =	simm.s32 @!p1 $0x5100  }
0x157: {  	[tilespmem:s10], [sflag:$0x7] =	stream.linear.gather @!p1 [hbm4b:s8+s9], $0x80, $0x38;
	[tilespmem:$0x1B280] =	vst v63  }
0x158: {  	_ =	swait.ge [sflag:s13], $0x2400  }
0x159: {  	[sflag:s13] =	ssyncset.done $0x0  }
0x15a: {  	[sflag:s13] =	ssyncadd.s32 $0xFFFFDC00  }
0x15b: {  	_ =	swait.ge [sflag:s16], $0x480  }
0x15c: {  	[sflag:s16] =	ssyncset.done $0x0  }
0x15d: {  	[sflag:s16] =	ssyncadd.s32 $0xFFFFFB80  }
0x15e: {  	v3 =	vld [tilespmem:$0x12200]  }
0x15f: {  	v5 =	vld [tilespmem:$0x12210]  }
0x160: {  	v6 =	vld [tilespmem:$0x12220]  }
0x161: {  	v4 =	vld [tilespmem:$0x12230]  }
0x162: {  	v2 =	vld [tilespmem:$0x12240]  }
0x163: {  	v1 =	vld [tilespmem:$0x12250]  }
0x164: {  	v0 =	vld [tilespmem:$0x12260]  }
0x165: {  	s11 =	simm.s32 $0x0;
	s10 =	simm.s32 $0x0;
	v16 =	vld [tilespmem:$0x12270]  }
0x166: {  	s20 =	sand.u32 $0x70, s10;
	s8 =	sand.u32 $0x1E00, s10;
	v8 =	vld [tilespmem:s11+$0xBE00]  }
0x167: {  	s8 =	sor.u32 s20, s8;
	v11 =	vld [tilespmem:s11+$0xBE70]  }
0x168: {  	v7 =	vld [tilespmem:s8+$0x4180]  }
0x169: {  	v13 =	vld [tilespmem:s11+$0xBE10]  }
0x16a: {  	v15 =	vld [tilespmem:s11+$0xBE20]  }
0x16b: {  	v12 =	vld [tilespmem:s11+$0xBE30]  }
0x16c: {  	v10 =	vld [tilespmem:s11+$0xBE40]  }
0x16d: {  	v9 =	vld [tilespmem:s11+$0xBE50];
	v8 =	vmul.f32 v8, v7;
	v17 =	vmul.f32 v11, v7  }
0x16e: {  	s9 =	simm.s32 $0x10;
	s20 =	simm.s32 $0x40;
	s8 =	simm.s32 $0x80;
	v14 =	vmul.f32 v13, v7;
	v11 =	vld [tilespmem:s11+$0xBE60]  }
0x16f: {  	s10 =	simm.s32 $0x400;
	s29 =	sand.u32 $0x1E00, s20;
	s11 =	sand.u32 $0x70, s9;
	v13 =	vld [tilespmem:s8+$0xBE00];
	v15 =	vmul.f32 v15, v7;
	v8 =	vadd.f32 v8, v3;
	v3 =	vadd.f32 v17, v16  }
.LBB2_9:
0x170: {  	p2 =	sne.s32 s10, $0x8E00;
	s11 =	sor.u32 s11, s29;
	v16 =	vld [tilespmem:s8+$0xBE70];
	v5 =	vadd.f32 v14, v5;
	v12 =	vmul.f32 v12, v7  }
0x171: {  	v14 =	vld [tilespmem:s11+$0x4180];
	v6 =	vadd.f32 v15, v6;
	v10 =	vmul.f32 v10, v7  }
0x172: {  	v15 =	vld [tilespmem:s8+$0xBE10];
	v4 =	vadd.f32 v12, v4;
	v9 =	vmul.f32 v9, v7  }
0x173: {  	v17 =	vld [tilespmem:s8+$0xBE20];
	v2 =	vadd.f32 v10, v2;
	v11 =	vmul.f32 v11, v7  }
.Ltmp5:
0x174: {  	v12 =	vld [tilespmem:s8+$0xBE30];
	v1 =	vadd.f32 v9, v1;
	(pc) =	sbr.rel @p2 .LBB2_9-.Ltmp5, $4  }
0x175: {  	v10 =	vld [tilespmem:s8+$0xBE40];
	v0 =	vadd.f32 v11, v0  }
0x176: {  	v18 =	vmul.f32 v13, v14;
	v9 =	vld [tilespmem:s8+$0xBE50];
	v16 =	vmul.f32 v16, v14;
	v7 =	vmov v14  }
0x177: {  	s20 =	sadd.s32 $0x40, s20;
	s9 =	sadd.s32 $0x10, s9;
	v14 =	vmul.f32 v15, v7;
	v11 =	vld [tilespmem:s8+$0xBE60];
	s8 =	sshra.s32 s10, $0x2  }
0x178: {  	s11 =	sand.u32 $0x70, s9;
	s29 =	sand.u32 $0x1E00, s20;
	s10 =	sadd.s32 $0x200, s10;
	v13 =	vld [tilespmem:s8+$0xBE00];
	v8 =	vadd.f32 v18, v8;
	v15 =	vmul.f32 v17, v7;
	v3 =	vadd.f32 v16, v3  }
0x179: {  	s9 =	sor.u32 s11, s29  }
0x17a: {  	v16 =	vld [tilespmem:s9+$0x4180]  }
0x17b: {  	v17 =	vld [tilespmem:s8+$0xBE10]  }
0x17c: {  	v18 =	vld [tilespmem:s8+$0xBE20]  }
0x17d: {  	v12 =	vmul.f32 v12, v7;
	v19 =	vld [tilespmem:s8+$0xBE30]  }
0x17e: {  	v5 =	vadd.f32 v14, v5;
	v49 =	vld [tilespmem:s8+$0xBE40];
	v6 =	vadd.f32 v15, v6;
	v10 =	vmul.f32 v10, v7  }
0x17f: {  	v51 =	vld [tilespmem:s8+$0xBE50];
	v4 =	vadd.f32 v12, v4;
	v9 =	vmul.f32 v9, v7;
	v50 =	vmul.f32 v13, v16  }
0x180: {  	v54 =	vld [tilespmem:s8+$0xBE60];
	v2 =	vadd.f32 v10, v2;
	v52 =	vmul.f32 v11, v7;
	v53 =	vmul.f32 v17, v16  }
0x181: {  	v55 =	vld [tilespmem:s8+$0xBE70];
	v1 =	vadd.f32 v9, v1;
	v56 =	vmul.f32 v18, v16;
	v8 =	vadd.f32 v50, v8  }
0x182: {  	v0 =	vadd.f32 v52, v0;
	v57 =	vmul.f32 v19, v16;
	v5 =	vadd.f32 v53, v5  }
0x183: {  	v58 =	vmul.f32 v49, v16;
	v6 =	vadd.f32 v56, v6;
	v8 =	vmax.f32 v8, $0.0e+00  }
0x184: {  	v59 =	vmul.f32 v51, v16;
	v4 =	vadd.f32 v57, v4;
	v5 =	vmax.f32 v5, $0.0e+00;
	[tilespmem:s24+$0xE380] =	vst v8  }
0x185: {  	v60 =	vmul.f32 v54, v16;
	v2 =	vadd.f32 v58, v2;
	v61 =	vmax.f32 v6, $0.0e+00;
	[tilespmem:s24+$0xE390] =	vst v5  }
0x186: {  	v62 =	vmul.f32 v55, v16;
	v1 =	vadd.f32 v59, v1;
	v4 =	vmax.f32 v4, $0.0e+00;
	[tilespmem:s24+$0xE3A0] =	vst v61  }
.Ltmp6:
0x187: {  	v0 =	vadd.f32 v60, v0;
	v2 =	vmax.f32 v2, $0.0e+00;
	[tilespmem:s24+$0xE3B0] =	vst v4;
	(pc) =	sbr.rel @p1 .LBB2_12-.Ltmp6, $4  }
0x188: {  	v3 =	vadd.f32 v62, v3;
	v1 =	vmax.f32 v1, $0.0e+00;
	[tilespmem:s24+$0xE3C0] =	vst v2  }
0x189: {  	v0 =	vmax.f32 v0, $0.0e+00;
	[tilespmem:s24+$0xE3D0] =	vst v1  }
0x18a: {  	v63 =	vmax.f32 v3, $0.0e+00;
	[tilespmem:s24+$0xE3E0] =	vst v0  }
0x18b: {  	[tilespmem:s24+$0xE3F0] =	vst v63  }
0x18c: {  	s8 =	sadd.s32 $0x7, s14  }
0x18d: {  	s9 =	sshll.u32 s8, $0x7;
	s8 =	sadd.s32 s6, s8  }
0x18e: {  	s10 =	simm.s32 $0xBE00;
	s9 =	sand.u32 $0x3FFFFF80, s9;
	s8 =	smul.u32 $0x90, s8  }
0x18f: {  	[tilespmem:s10], [sflag:$0x4] =	stream.indirect.gather [spmem:s2], $0x80, s9, s17, $0xb8;
	[tilespmem:$0x1B280] =	vst v63  }
0x190: {  	s8 =	sadd.s32 s5, s8  }
0x191: {  	[tilespmem:s30], [sflag:$0x8] =	stream.linear.gather [hbm4b:s8+s3], $0x80, $0x38;
	[tilespmem:$0x1B280] =	vst v63  }
0x192: {  	s29 =	sadd.s32 $0x10, s8  }
0x193: {  	[tilespmem:s31], [sflag:$0x8] =	stream.linear.gather [hbm4b:s29+s3], $0x80, $0x38;
	[tilespmem:$0x1B280] =	vst v63  }
0x194: {  	s10 =	sadd.s32 $0x20, s8  }
0x195: {  	[tilespmem:s0], [sflag:$0x8] =	stream.linear.gather [hbm4b:s10+s3], $0x80, $0x38;
	[tilespmem:$0x1B280] =	vst v63  }
0x196: {  	s11 =	sadd.s32 $0x30, s8  }
0x197: {  	[tilespmem:s1], [sflag:$0x8] =	stream.linear.gather [hbm4b:s11+s3], $0x80, $0x38;
	[tilespmem:$0x1B280] =	vst v63  }
0x198: {  	s14 =	sadd.s32 $0x40, s8  }
0x199: {  	[tilespmem:s15], [sflag:$0x8] =	stream.linear.gather [hbm4b:s14+s3], $0x80, $0x38;
	[tilespmem:$0x1B280] =	vst v63  }
0x19a: {  	s20 =	sadd.s32 $0x50, s8  }
0x19b: {  	[tilespmem:s18], [sflag:$0x8] =	stream.linear.gather [hbm4b:s20+s3], $0x80, $0x38;
	[tilespmem:$0x1B280] =	vst v63  }
0x19c: {  	s24 =	sadd.s32 $0x60, s8  }
0x19d: {  	[tilespmem:s19], [sflag:$0x8] =	stream.linear.gather [hbm4b:s24+s3], $0x80, $0x38;
	[tilespmem:$0x1B280] =	vst v63  }
.Ltmp7:
0x19e: {  	_ = 	snop;
	(pc) =	sbr.rel .LBB2_2-.Ltmp7, $4  }
0x19f: {  	s29 =	sadd.s32 $0x70, s8  }
0x1a0: {  	[tilespmem:s21], [sflag:$0x8] =	stream.linear.gather [hbm4b:s29+s3], $0x80, $0x38;
	[tilespmem:$0x1B280] =	vst v63  }
0x1a1: {  	s22 =	sadd.s32 $0x1, s22;
	s8 =	sadd.s32 $0x80, s8  }
0x1a2: {  	[tilespmem:s23], [sflag:$0x8] =	stream.linear.gather [hbm4b:s8+s3], $0x80, $0x38;
	[tilespmem:$0x1B280] =	vst v63  }
.LBB2_13:
0x1a3: {  	_ =	sfence.sel $0x180000  }
0x1a4: {  	[bflag:$0x0] =	sbarrier.arrive $0xFFFF  }
0x1a5: {  	_ =	strace $0x90000047  }
0x1a6: {  	[bflag:$0x2] =	sbarrier.arrive $0xFFFF  }
0x1a7: {  	s0 =	rddreg [dreg:$0x4]  }
0x1a8: {  	s0 =	sadd.s32 @!p0 $0x100000, s0  }
0x1a9: {  	[sflag:s0] =	ssyncadd.tile.s32 @!p0 $0x1;
	_ =	shalt  }
.Lfunc_end2:
_tile_overlayer_lowered:
.L_overlay_start_2:
0x1aa: {  	(tag) =	ssettag $0x2  }
0x1ab: {  	s0 =	rddreg [dreg:$0x0];
	s2 =	stileid.u32  }
0x1ac: {  	s1 =	rddreg [dreg:$0x1];
	p0 =	sne.s32 s2, $0x0  }
0x1ad: {  	s3 =	rddreg [dreg:$0x2];
	[bflag:$0x3] =	sbarrier.arrive $0xFFFF;
	s2 =	simm.s32 @!p0 $0x1C09  }
0x1ae: {  	[timem:s3], [sflag:s2] =	dma.local @!p0 [hbm:s0], s1  }
0x1af: {  	s0 =	simm.s32 @!p0 $0x9  }
0x1b0: {  	_ =	swait.ge @!p0 [sflag:s0], s1  }
0x1b1: {  	s1 =	ssub.s32 @!p0 $0x0, s1;
	[sflag:s0] =	ssyncset.done @!p0 $0x0  }
0x1b2: {  	[sflag:s0] =	ssyncadd.s32 @!p0 s1  }
0x1b3: {  	[bflag:$0x3] =	sbarrier.arrive $0xFFFF  }
0x1b4: {  	_ =	shalt  }

</sc_bundles>
